<compile_context>
chip_gen: v7x
topology: tpu7x:2x2x1
jax: 0.10.2.dev20260603
libtpu: 0.0.44.dev20260713+nightly
codegen_flags: <defaults>
</compile_context>

<pallas_src>
import functools

import numpy as np
import jax
import jax.numpy as jnp
from jax import lax
from jax.experimental import pallas as pl
from jax.experimental.pallas import tpu as pltpu
from jax.experimental.pallas import tpu_sc as plsc

_B, _F, _S, _D, _V, _C = 1024, 26, 50, 32, 100000, 32
_NC, _NS = 2, 16
_NW = _NC * _NS
_BPW = _B // _NW
_XW = _C * _S
_NCAT = _F * _S
_ROWS = 1312
_FT = _D * _S
_CAT = _F * _FT
_OUTW = _CAT + (_C - _F) * _S
_CONT0 = _F * _S
_CONTW = (_C - _F) * _S
_HF = 13
_HROWS = 656
_H1OFF = 648
_H1LO = _HF * _S - _H1OFF
_HW0 = _HF * _FT
_HW1 = _HF * _FT + _CONTW
_OBW = 21104


def _off_const():
    off = np.zeros((_ROWS,), np.int32)
    off[:_NCAT] = (np.arange(_NCAT) // _S).astype(np.int32) * _V
    return off


_OFF = _off_const()


def _compute_idx(x_ref, off_ref, idx_ref):
    def body(j, c):
        v = x_ref[pl.ds(j * 16, 16)]
        iv = (v + 0.5).astype(jnp.int32)
        iv = jnp.minimum(jnp.maximum(iv, 0), _V - 1)
        idx_ref[pl.ds(j * 16, 16)] = iv + off_ref[pl.ds(j * 16, 16)]
        return c
    lax.fori_loop(0, _ROWS // 16, body, 0, unroll=4)


def _transpose_half(rows_ref, ob_ref, lo, dvec):
    def f_body(g, c):
        def s_body(s, c2):
            r = g * _S + s + lo
            v0 = rows_ref[r, pl.ds(0, 16)]
            v1 = rows_ref[r, pl.ds(16, 16)]
            d0 = dvec + (g * _FT + s)
            plsc.store_scatter(ob_ref, [d0], v0)
            plsc.store_scatter(ob_ref, [d0 + 16 * _S], v1)
            return c2
        return lax.fori_loop(0, _S, s_body, c, unroll=5)
    lax.fori_loop(0, _HF, f_body, 0)


def _emb_body(x_hbm, tab_hbm, off_hbm, out_hbm,
              x0, x1, off_v, i0, i1, r0, r1, o0, o1,
              semx, semg0, semg1, semo0, semo1):
    cid = lax.axis_index("c")
    sid = lax.axis_index("s")
    wid = sid * _NC + cid
    b0 = wid * _BPW

    pltpu.sync_copy(off_hbm, off_v)
    dvec = lax.broadcasted_iota(jnp.int32, (16,), 0) * _S
    xs = (x0, x1)
    idxs = (i0, i1)

    def fire_g0(idx_ref):
        return pltpu.async_copy(
            tab_hbm.at[idx_ref.at[pl.ds(0, _HROWS)]], r0, semg0)

    def fire_g1(idx_ref):
        return pltpu.async_copy(
            tab_hbm.at[idx_ref.at[pl.ds(_H1OFF, _HROWS)]], r1, semg1)

    def fire_x(b, x_ref):
        return pltpu.async_copy(x_hbm.at[b], x_ref.at[pl.ds(0, _XW)], semx)

    def wait_x(b, x_ref):
        pltpu.make_async_copy(x_hbm.at[b], x_ref.at[pl.ds(0, _XW)],
                              semx).wait()

    def wait_g0(idx_ref):
        pltpu.make_async_copy(
            tab_hbm.at[idx_ref.at[pl.ds(0, _HROWS)]], r0, semg0).wait()

    def wait_g1(idx_ref):
        pltpu.make_async_copy(
            tab_hbm.at[idx_ref.at[pl.ds(_H1OFF, _HROWS)]], r1, semg1).wait()

    def fire_o0(b):
        return pltpu.async_copy(o0.at[pl.ds(0, _HW0)],
                                out_hbm.at[b, pl.ds(0, _HW0)], semo0)

    def fire_o1(b):
        return pltpu.async_copy(o1.at[pl.ds(0, _HW1)],
                                out_hbm.at[b, pl.ds(_HW0, _HW1)], semo1)

    def drain_o0(b):
        pltpu.make_async_copy(o0.at[pl.ds(0, _HW0)],
                              out_hbm.at[b, pl.ds(0, _HW0)], semo0).wait()

    def drain_o1(b):
        pltpu.make_async_copy(o1.at[pl.ds(0, _HW1)],
                              out_hbm.at[b, pl.ds(_HW0, _HW1)], semo1).wait()

    def cont_extract(x_ref):
        def body(j, c):
            src = lax.broadcasted_iota(jnp.int32, (16,), 0) + (
                _CONT0 + j * 16)
            vals = plsc.load_gather(x_ref, [src])
            o1[pl.ds(_HW0 + j * 16, 16)] = vals
            return c
        lax.fori_loop(0, (_OBW - _HW0) // 16, body, 0)

    pltpu.sync_copy(x_hbm.at[b0], x0.at[pl.ds(0, _XW)])
    _compute_idx(x0, off_v, i0)
    fire_g0(i0)
    fire_x(b0 + 1, x1)

    def per_b(u, t, q):
        b = b0 + t
        xq, xn = xs[q], xs[1 - q]
        iq, inx = idxs[q], idxs[1 - q]

        fire_g1(iq)

        if q == 0:
            wait_x(b + 1, xn)
            _compute_idx(xn, off_v, inx)
        else:
            @pl.when(u < _BPW // 2 - 1)
            def _():
                wait_x(b + 1, xn)
                _compute_idx(xn, off_v, inx)

        wait_g0(iq)
        if q == 0:
            @pl.when(u > 0)
            def _():
                drain_o0(b - 1)
        else:
            drain_o0(b - 1)
        _transpose_half(r0, o0, 0, dvec)
        fire_o0(b)

        if q == 0:
            fire_g0(inx)
        else:
            @pl.when(u < _BPW // 2 - 1)
            def _():
                fire_g0(inx)

        if q == 0:
            @pl.when(u > 0)
            def _():
                drain_o1(b - 1)
        else:
            drain_o1(b - 1)
        cont_extract(xq)
        wait_g1(iq)
        _transpose_half(r1, o1, _H1LO, dvec)
        fire_o1(b)

        @pl.when(u < _BPW // 2 - 1)
        def _():
            fire_x(b + 2, xq)

    def pair_body(u, c):
        per_b(u, 2 * u, 0)
        per_b(u, 2 * u + 1, 1)
        return c
    lax.fori_loop(0, _BPW // 2, pair_body, 0)

    drain_o0(b0 + _BPW - 1)
    drain_o1(b0 + _BPW - 1)


@functools.partial(jax.jit, static_argnums=())
def _run(x2, tab2, off):
    mesh = plsc.VectorSubcoreMesh(core_axis_name="c", subcore_axis_name="s",
                                  num_cores=_NC, num_subcores=_NS)
    f = pl.kernel(
        _emb_body,
        out_type=jax.ShapeDtypeStruct((_B, _OUTW), jnp.float32),
        mesh=mesh,
        compiler_params=pltpu.CompilerParams(needs_layout_passes=False,
                                             use_tc_tiling_on_sc=False),
        scratch_types=[
            pltpu.VMEM((_XW + 16,), jnp.float32),
            pltpu.VMEM((_XW + 16,), jnp.float32),
            pltpu.VMEM((_ROWS,), jnp.int32),
            pltpu.VMEM((_ROWS,), jnp.int32),
            pltpu.VMEM((_ROWS,), jnp.int32),
            pltpu.VMEM((_HROWS, _D), jnp.float32),
            pltpu.VMEM((_HROWS, _D), jnp.float32),
            pltpu.VMEM((_OBW,), jnp.float32),
            pltpu.VMEM((_OBW,), jnp.float32),
            pltpu.SemaphoreType.DMA,
            pltpu.SemaphoreType.DMA,
            pltpu.SemaphoreType.DMA,
            pltpu.SemaphoreType.DMA,
            pltpu.SemaphoreType.DMA,
        ],
    )
    return f(x2, tab2, off)


def kernel(x, tables):
    x2 = x.reshape(_B, _XW)
    tab2 = tables.reshape(_F * _V, _D)
    out = _run(x2, tab2, jnp.asarray(_OFF))
    return out.reshape(_B, _F * _D + (_C - _F), _S)

# --- scband reference (transcript-rebuilt; emitter-appended) ---
"""Pipeline reference for scband-multi-embedding-78563541778908 (READ-ONLY COPY).

The authoritative reference and input builder live on the scoring server;
editing this copy changes nothing except your own understanding.
"""

import jax, jax.numpy as jnp
import numpy as np

N_FIELDS = 26
VOCAB = 100000
DIM = 32
C_IN = 32
B = 1024
S = 50


def setup_inputs(seed: int = 0) -> dict:
    key = jax.random.key(seed)
    k1, k2 = jax.random.split(key)
    # x holds categorical codes (as floats) in channels [0:26] and continuous values in [26:32]
    x = jax.random.randint(k1, (B, C_IN, S), 0, VOCAB).astype(jnp.float32)
    # 26 embedding tables of identical shape, stacked: [n_fields, vocab, dim]
    # trunc_normal_(std=0.01) approximated by normal * 0.01 (values well within trunc bounds)
    tables = jax.random.normal(k2, (N_FIELDS, VOCAB, DIM), dtype=jnp.float32) * 0.01
    return {"x": x, "tables": tables}


def reference(x, tables):
    # cat_pos = arange(26), cont_pos = arange(26, 32)
    x_cat_raw = x[:, :N_FIELDS, :]          # [B, F, S]
    x_cont = x[:, N_FIELDS:, :]             # [B, C_IN-F, S]
    idx = jnp.round(x_cat_raw).astype(jnp.int32)  # [B, F, S]
    idx_t = jnp.transpose(idx, (1, 0, 2))   # [F, B, S]
    # per-field embedding gather: e(idx[:, i]) -> [B, S, D]
    gathered = jax.vmap(lambda t, i: jnp.take(t, i, axis=0))(tables, idx_t)  # [F, B, S, D]
    # torch does .transpose(1,2) per field ([B, D, S]) then cat over dim 1 -> [B, F*D, S]
    x_cat = jnp.transpose(gathered, (1, 0, 3, 2)).reshape(B, N_FIELDS * DIM, S)
    return jnp.concatenate([x_cat, x_cont], axis=1)  # [B, F*D + (C_IN-F), S]

if __name__ == "__main__":
    import jax
    _d = setup_inputs()
    print(jax.jit(kernel)(*tuple(_d.values())))

</pallas_src>

<mosaic_0001>
#map = affine_map<(d0, d1) -> (0, 0)>
#map1 = affine_map<(d0, d1) -> (0)>
module attributes {stable_mosaic.version = 14 : i64} {
  func.func @_emb_body(%arg0: i32, %arg1: i32, %arg2: memref<1024x1600xf32, #tpu.memory_space<hbm>>, %arg3: memref<2600000x32xf32, #tpu.memory_space<hbm>>, %arg4: memref<1312xi32, #tpu.memory_space<hbm>>, %arg5: memref<1024x41900xf32, #tpu.memory_space<hbm>>, %arg6: memref<1616xf32, #tpu.memory_space<vmem>>, %arg7: memref<1616xf32, #tpu.memory_space<vmem>>, %arg8: memref<1312xi32, #tpu.memory_space<vmem>>, %arg9: memref<1312xi32, #tpu.memory_space<vmem>>, %arg10: memref<1312xi32, #tpu.memory_space<vmem>>, %arg11: memref<656x32xf32, #tpu.memory_space<vmem>>, %arg12: memref<656x32xf32, #tpu.memory_space<vmem>>, %arg13: memref<21104xf32, #tpu.memory_space<vmem>>, %arg14: memref<21104xf32, #tpu.memory_space<vmem>>, %arg15: memref<!tpu.dma_semaphore, #tpu.memory_space<semaphore_mem>>, %arg16: memref<!tpu.dma_semaphore, #tpu.memory_space<semaphore_mem>>, %arg17: memref<!tpu.dma_semaphore, #tpu.memory_space<semaphore_mem>>, %arg18: memref<!tpu.dma_semaphore, #tpu.memory_space<semaphore_mem>>, %arg19: memref<!tpu.dma_semaphore, #tpu.memory_space<semaphore_mem>>) attributes {dimension_semantics = [#tpu.dimension_semantics<core_parallel>, #tpu.dimension_semantics<subcore_parallel>], iteration_bounds = array<i64: 2, 16>, scalar_prefetch = 0 : i64, scratch_operands = 14 : i64, tpu.core_type = #tpu.core_type<sc_vector_subcore>, window_params = [{transform_indices = #map}, {transform_indices = #map}, {transform_indices = #map1}, {transform_indices = #map}]} {
    %mul3A = arith.constant 2 : i32
    %mul3A_0 = arith.muli %arg1, %mul3A : i32
    %add3A = arith.addi %mul3A_0, %arg0 : i32
    %mul3A_1 = arith.constant 32 : i32
    %mul3A_2 = arith.muli %add3A, %mul3A_1 : i32
    "tpu.region"() ({
      %run_scoped3A = tpu.sem_alloc : memref<!tpu.dma_semaphore, #tpu.memory_space<semaphore_mem>>
      tpu.enqueue_dma source(%arg4 : memref<1312xi32, #tpu.memory_space<hbm>>) target(%arg8 : memref<1312xi32, #tpu.memory_space<vmem>>) target_semaphore(%run_scoped3A : memref<!tpu.dma_semaphore, #tpu.memory_space<semaphore_mem>>)
      tpu.wait_dma2 semaphore(%run_scoped3A : memref<!tpu.dma_semaphore, #tpu.memory_space<semaphore_mem>>) src(%arg4 : memref<1312xi32, #tpu.memory_space<hbm>>) dst(%arg8 : memref<1312xi32, #tpu.memory_space<vmem>>)
      tpu.yield
    }) : () -> ()
    %iota3A = tpu.iota {dimensions = array<i32: 0>} : vector<16xi32>
    %mul3A_3 = arith.constant 50 : i32
    %mul3A_4 = vector.broadcast %mul3A_3 : i32 to vector<16xi32>
    %mul3A_5 = arith.muli %iota3A, %mul3A_4 : vector<16xi32>
    "tpu.region"() ({
      %run_scoped3A = tpu.sem_alloc : memref<!tpu.dma_semaphore, #tpu.memory_space<semaphore_mem>>
      %dma_start3A_104 = arith.constant 0 : i32
      %dma_start3A_105 = tpu.memref_slice %arg6[%dma_start3A_104] : memref<1616xf32, #tpu.memory_space<vmem>> -> memref<1600xf32, #tpu.memory_space<vmem>>
      %dma_start3A_106 = arith.constant 0 : i32
      %dma_start3A_107 = tpu.memref_slice %arg2[%mul3A_2, %dma_start3A_106] : memref<1024x1600xf32, #tpu.memory_space<hbm>> -> memref<1x1600xf32, #tpu.memory_space<hbm>>
      %dma_start3A_108 = tpu.memref_squeeze %dma_start3A_107 : memref<1x1600xf32, #tpu.memory_space<hbm>> -> memref<1600xf32, #tpu.memory_space<hbm>>
      %dma_start3A_109 = arith.constant 0 : i32
      %dma_start3A_110 = tpu.memref_slice %arg6[%dma_start3A_109] : memref<1616xf32, #tpu.memory_space<vmem>> -> memref<1600xf32, #tpu.memory_space<vmem>>
      %dma_start3A_111 = arith.constant 0 : i32
      %dma_start3A_112 = tpu.memref_slice %arg2[%mul3A_2, %dma_start3A_111] : memref<1024x1600xf32, #tpu.memory_space<hbm>> -> memref<1x1600xf32, #tpu.memory_space<hbm>>
      %dma_start3A_113 = tpu.memref_squeeze %dma_start3A_112 : memref<1x1600xf32, #tpu.memory_space<hbm>> -> memref<1600xf32, #tpu.memory_space<hbm>>
      tpu.enqueue_dma source(%dma_start3A_113 : memref<1600xf32, #tpu.memory_space<hbm>>) target(%dma_start3A_110 : memref<1600xf32, #tpu.memory_space<vmem>>) target_semaphore(%run_scoped3A : memref<!tpu.dma_semaphore, #tpu.memory_space<semaphore_mem>>)
      %dma_wait3A_114 = arith.constant 0 : i32
      %dma_wait3A_115 = tpu.memref_slice %arg6[%dma_wait3A_114] : memref<1616xf32, #tpu.memory_space<vmem>> -> memref<1600xf32, #tpu.memory_space<vmem>>
      %dma_wait3A_116 = arith.constant 0 : i32
      %dma_wait3A_117 = tpu.memref_slice %arg2[%mul3A_2, %dma_wait3A_116] : memref<1024x1600xf32, #tpu.memory_space<hbm>> -> memref<1x1600xf32, #tpu.memory_space<hbm>>
      %dma_wait3A_118 = tpu.memref_squeeze %dma_wait3A_117 : memref<1x1600xf32, #tpu.memory_space<hbm>> -> memref<1600xf32, #tpu.memory_space<hbm>>
      %dma_wait3A_119 = arith.constant 0 : i32
      %dma_wait3A_120 = tpu.memref_slice %arg6[%dma_wait3A_119] : memref<1616xf32, #tpu.memory_space<vmem>> -> memref<1600xf32, #tpu.memory_space<vmem>>
      %dma_wait3A_121 = arith.constant 0 : i32
      %dma_wait3A_122 = tpu.memref_slice %arg2[%mul3A_2, %dma_wait3A_121] : memref<1024x1600xf32, #tpu.memory_space<hbm>> -> memref<1x1600xf32, #tpu.memory_space<hbm>>
      %dma_wait3A_123 = tpu.memref_squeeze %dma_wait3A_122 : memref<1x1600xf32, #tpu.memory_space<hbm>> -> memref<1600xf32, #tpu.memory_space<hbm>>
      tpu.wait_dma2 semaphore(%run_scoped3A : memref<!tpu.dma_semaphore, #tpu.memory_space<semaphore_mem>>) src(%dma_wait3A_123 : memref<1600xf32, #tpu.memory_space<hbm>>) dst(%dma_wait3A_120 : memref<1600xf32, #tpu.memory_space<vmem>>)
      tpu.yield
    }) : () -> ()
    %scan3A = arith.constant 0 : i32
    %scan3A_6 = arith.constant 0 : i32
    %scan3A_7 = arith.constant 80 : i32
    %scan3A_8 = arith.addi %scan3A_6, %scan3A_7 : i32
    %scan3A_9 = arith.constant 4 : i32
    scf.for %scan3A_104 = %scan3A_6 to %scan3A_8 step %scan3A_9  : i32 {
      %mul3A_105 = arith.constant 16 : i32
      %mul3A_106 = arith.muli %scan3A_104, %mul3A_105 : i32
      %get3A_107 = arith.index_cast %mul3A_106 : i32 to index
      %get3A_108 = tpu.vector_load %arg6[%get3A_107] {strides = array<i32>} : memref<1616xf32, #tpu.memory_space<vmem>>, vector<16xf32>,
      %add3A_109 = arith.constant 5.000000e-01 : f32
      %add3A_110 = vector.broadcast %add3A_109 : f32 to vector<16xf32>
      %add3A_111 = arith.addf %get3A_108, %add3A_110 : vector<16xf32>
      %convert_element_type3A_112 = arith.fptosi %add3A_111 : vector<16xf32> to vector<16xi32>
      %max3A_113 = arith.constant 0 : i32
      %max3A_114 = vector.broadcast %max3A_113 : i32 to vector<16xi32>
      %max3A_115 = arith.maxsi %convert_element_type3A_112, %max3A_114 : vector<16xi32>
      %min3A_116 = arith.constant 99999 : i32
      %min3A_117 = vector.broadcast %min3A_116 : i32 to vector<16xi32>
      %min3A_118 = arith.minsi %max3A_115, %min3A_117 : vector<16xi32>
      %mul3A_119 = arith.constant 16 : i32
      %mul3A_120 = arith.muli %scan3A_104, %mul3A_119 : i32
      %get3A_121 = arith.index_cast %mul3A_120 : i32 to index
      %get3A_122 = tpu.vector_load %arg8[%get3A_121] {strides = array<i32>} : memref<1312xi32, #tpu.memory_space<vmem>>, vector<16xi32>,
      %add3A_123 = arith.addi %min3A_118, %get3A_122 : vector<16xi32>
      %mul3A_124 = arith.constant 16 : i32
      %mul3A_125 = arith.muli %scan3A_104, %mul3A_124 : i32
      %swap3A_126 = arith.index_cast %mul3A_125 : i32 to index
      %swap3A_127 = tpu.vector_load %arg9[%swap3A_126] {strides = array<i32>} : memref<1312xi32, #tpu.memory_space<vmem>>, vector<16xi32>,
      tpu.vector_store %arg9[%swap3A_126], %add3A_123 {strides = array<i32>} : memref<1312xi32, #tpu.memory_space<vmem>>, vector<16xi32>,
      %scan3A_128 = arith.constant 1 : i32
      %scan3A_129 = arith.addi %scan3A_104, %scan3A_128 : i32
      %mul3A_130 = arith.constant 16 : i32
      %mul3A_131 = arith.muli %scan3A_129, %mul3A_130 : i32
      %get3A_132 = arith.index_cast %mul3A_131 : i32 to index
      %get3A_133 = tpu.vector_load %arg6[%get3A_132] {strides = array<i32>} : memref<1616xf32, #tpu.memory_space<vmem>>, vector<16xf32>,
      %add3A_134 = arith.constant 5.000000e-01 : f32
      %add3A_135 = vector.broadcast %add3A_134 : f32 to vector<16xf32>
      %add3A_136 = arith.addf %get3A_133, %add3A_135 : vector<16xf32>
      %convert_element_type3A_137 = arith.fptosi %add3A_136 : vector<16xf32> to vector<16xi32>
      %max3A_138 = arith.constant 0 : i32
      %max3A_139 = vector.broadcast %max3A_138 : i32 to vector<16xi32>
      %max3A_140 = arith.maxsi %convert_element_type3A_137, %max3A_139 : vector<16xi32>
      %min3A_141 = arith.constant 99999 : i32
      %min3A_142 = vector.broadcast %min3A_141 : i32 to vector<16xi32>
      %min3A_143 = arith.minsi %max3A_140, %min3A_142 : vector<16xi32>
      %mul3A_144 = arith.constant 16 : i32
      %mul3A_145 = arith.muli %scan3A_129, %mul3A_144 : i32
      %get3A_146 = arith.index_cast %mul3A_145 : i32 to index
      %get3A_147 = tpu.vector_load %arg8[%get3A_146] {strides = array<i32>} : memref<1312xi32, #tpu.memory_space<vmem>>, vector<16xi32>,
      %add3A_148 = arith.addi %min3A_143, %get3A_147 : vector<16xi32>
      %mul3A_149 = arith.constant 16 : i32
      %mul3A_150 = arith.muli %scan3A_129, %mul3A_149 : i32
      %swap3A_151 = arith.index_cast %mul3A_150 : i32 to index
      %swap3A_152 = tpu.vector_load %arg9[%swap3A_151] {strides = array<i32>} : memref<1312xi32, #tpu.memory_space<vmem>>, vector<16xi32>,
      tpu.vector_store %arg9[%swap3A_151], %add3A_148 {strides = array<i32>} : memref<1312xi32, #tpu.memory_space<vmem>>, vector<16xi32>,
      %scan3A_153 = arith.constant 2 : i32
      %scan3A_154 = arith.addi %scan3A_104, %scan3A_153 : i32
      %mul3A_155 = arith.constant 16 : i32
      %mul3A_156 = arith.muli %scan3A_154, %mul3A_155 : i32
      %get3A_157 = arith.index_cast %mul3A_156 : i32 to index
      %get3A_158 = tpu.vector_load %arg6[%get3A_157] {strides = array<i32>} : memref<1616xf32, #tpu.memory_space<vmem>>, vector<16xf32>,
      %add3A_159 = arith.constant 5.000000e-01 : f32
      %add3A_160 = vector.broadcast %add3A_159 : f32 to vector<16xf32>
      %add3A_161 = arith.addf %get3A_158, %add3A_160 : vector<16xf32>
      %convert_element_type3A_162 = arith.fptosi %add3A_161 : vector<16xf32> to vector<16xi32>
      %max3A_163 = arith.constant 0 : i32
      %max3A_164 = vector.broadcast %max3A_163 : i32 to vector<16xi32>
      %max3A_165 = arith.maxsi %convert_element_type3A_162, %max3A_164 : vector<16xi32>
      %min3A_166 = arith.constant 99999 : i32
      %min3A_167 = vector.broadcast %min3A_166 : i32 to vector<16xi32>
      %min3A_168 = arith.minsi %max3A_165, %min3A_167 : vector<16xi32>
      %mul3A_169 = arith.constant 16 : i32
      %mul3A_170 = arith.muli %scan3A_154, %mul3A_169 : i32
      %get3A_171 = arith.index_cast %mul3A_170 : i32 to index
      %get3A_172 = tpu.vector_load %arg8[%get3A_171] {strides = array<i32>} : memref<1312xi32, #tpu.memory_space<vmem>>, vector<16xi32>,
      %add3A_173 = arith.addi %min3A_168, %get3A_172 : vector<16xi32>
      %mul3A_174 = arith.constant 16 : i32
      %mul3A_175 = arith.muli %scan3A_154, %mul3A_174 : i32
      %swap3A_176 = arith.index_cast %mul3A_175 : i32 to index
      %swap3A_177 = tpu.vector_load %arg9[%swap3A_176] {strides = array<i32>} : memref<1312xi32, #tpu.memory_space<vmem>>, vector<16xi32>,
      tpu.vector_store %arg9[%swap3A_176], %add3A_173 {strides = array<i32>} : memref<1312xi32, #tpu.memory_space<vmem>>, vector<16xi32>,
      %scan3A_178 = arith.constant 3 : i32
      %scan3A_179 = arith.addi %scan3A_104, %scan3A_178 : i32
      %mul3A_180 = arith.constant 16 : i32
      %mul3A_181 = arith.muli %scan3A_179, %mul3A_180 : i32
      %get3A_182 = arith.index_cast %mul3A_181 : i32 to index
      %get3A_183 = tpu.vector_load %arg6[%get3A_182] {strides = array<i32>} : memref<1616xf32, #tpu.memory_space<vmem>>, vector<16xf32>,
      %add3A_184 = arith.constant 5.000000e-01 : f32
      %add3A_185 = vector.broadcast %add3A_184 : f32 to vector<16xf32>
      %add3A_186 = arith.addf %get3A_183, %add3A_185 : vector<16xf32>
      %convert_element_type3A_187 = arith.fptosi %add3A_186 : vector<16xf32> to vector<16xi32>
      %max3A_188 = arith.constant 0 : i32
      %max3A_189 = vector.broadcast %max3A_188 : i32 to vector<16xi32>
      %max3A_190 = arith.maxsi %convert_element_type3A_187, %max3A_189 : vector<16xi32>
      %min3A_191 = arith.constant 99999 : i32
      %min3A_192 = vector.broadcast %min3A_191 : i32 to vector<16xi32>
      %min3A_193 = arith.minsi %max3A_190, %min3A_192 : vector<16xi32>
      %mul3A_194 = arith.constant 16 : i32
      %mul3A_195 = arith.muli %scan3A_179, %mul3A_194 : i32
      %get3A_196 = arith.index_cast %mul3A_195 : i32 to index
      %get3A_197 = tpu.vector_load %arg8[%get3A_196] {strides = array<i32>} : memref<1312xi32, #tpu.memory_space<vmem>>, vector<16xi32>,
      %add3A_198 = arith.addi %min3A_193, %get3A_197 : vector<16xi32>
      %mul3A_199 = arith.constant 16 : i32
      %mul3A_200 = arith.muli %scan3A_179, %mul3A_199 : i32
      %swap3A_201 = arith.index_cast %mul3A_200 : i32 to index
      %swap3A_202 = tpu.vector_load %arg9[%swap3A_201] {strides = array<i32>} : memref<1312xi32, #tpu.memory_space<vmem>>, vector<16xi32>,
      tpu.vector_store %arg9[%swap3A_201], %add3A_198 {strides = array<i32>} : memref<1312xi32, #tpu.memory_space<vmem>>, vector<16xi32>,
    }
    %scan3A_10 = arith.constant 80 : i32
    %scan3A_11 = arith.addi %scan3A_6, %scan3A_10 : i32
    %mul3A_12 = arith.constant 16 : i32
    %mul3A_13 = arith.muli %scan3A_11, %mul3A_12 : i32
    %get3A = arith.index_cast %mul3A_13 : i32 to index
    %get3A_14 = tpu.vector_load %arg6[%get3A] {strides = array<i32>} : memref<1616xf32, #tpu.memory_space<vmem>>, vector<16xf32>,
    %add3A_15 = arith.constant 5.000000e-01 : f32
    %add3A_16 = vector.broadcast %add3A_15 : f32 to vector<16xf32>
    %add3A_17 = arith.addf %get3A_14, %add3A_16 : vector<16xf32>
    %convert_element_type3A = arith.fptosi %add3A_17 : vector<16xf32> to vector<16xi32>
    %max3A = arith.constant 0 : i32
    %max3A_18 = vector.broadcast %max3A : i32 to vector<16xi32>
    %max3A_19 = arith.maxsi %convert_element_type3A, %max3A_18 : vector<16xi32>
    %min3A = arith.constant 99999 : i32
    %min3A_20 = vector.broadcast %min3A : i32 to vector<16xi32>
    %min3A_21 = arith.minsi %max3A_19, %min3A_20 : vector<16xi32>
    %mul3A_22 = arith.constant 16 : i32
    %mul3A_23 = arith.muli %scan3A_11, %mul3A_22 : i32
    %get3A_24 = arith.index_cast %mul3A_23 : i32 to index
    %get3A_25 = tpu.vector_load %arg8[%get3A_24] {strides = array<i32>} : memref<1312xi32, #tpu.memory_space<vmem>>, vector<16xi32>,
    %add3A_26 = arith.addi %min3A_21, %get3A_25 : vector<16xi32>
    %mul3A_27 = arith.constant 16 : i32
    %mul3A_28 = arith.muli %scan3A_11, %mul3A_27 : i32
    %swap3A = arith.index_cast %mul3A_28 : i32 to index
    %swap3A_29 = tpu.vector_load %arg9[%swap3A] {strides = array<i32>} : memref<1312xi32, #tpu.memory_space<vmem>>, vector<16xi32>,
    tpu.vector_store %arg9[%swap3A], %add3A_26 {strides = array<i32>} : memref<1312xi32, #tpu.memory_space<vmem>>, vector<16xi32>,
    %scan3A_30 = arith.constant 81 : i32
    %scan3A_31 = arith.addi %scan3A_6, %scan3A_30 : i32
    %mul3A_32 = arith.constant 16 : i32
    %mul3A_33 = arith.muli %scan3A_31, %mul3A_32 : i32
    %get3A_34 = arith.index_cast %mul3A_33 : i32 to index
    %get3A_35 = tpu.vector_load %arg6[%get3A_34] {strides = array<i32>} : memref<1616xf32, #tpu.memory_space<vmem>>, vector<16xf32>,
    %add3A_36 = arith.constant 5.000000e-01 : f32
    %add3A_37 = vector.broadcast %add3A_36 : f32 to vector<16xf32>
    %add3A_38 = arith.addf %get3A_35, %add3A_37 : vector<16xf32>
    %convert_element_type3A_39 = arith.fptosi %add3A_38 : vector<16xf32> to vector<16xi32>
    %max3A_40 = arith.constant 0 : i32
    %max3A_41 = vector.broadcast %max3A_40 : i32 to vector<16xi32>
    %max3A_42 = arith.maxsi %convert_element_type3A_39, %max3A_41 : vector<16xi32>
    %min3A_43 = arith.constant 99999 : i32
    %min3A_44 = vector.broadcast %min3A_43 : i32 to vector<16xi32>
    %min3A_45 = arith.minsi %max3A_42, %min3A_44 : vector<16xi32>
    %mul3A_46 = arith.constant 16 : i32
    %mul3A_47 = arith.muli %scan3A_31, %mul3A_46 : i32
    %get3A_48 = arith.index_cast %mul3A_47 : i32 to index
    %get3A_49 = tpu.vector_load %arg8[%get3A_48] {strides = array<i32>} : memref<1312xi32, #tpu.memory_space<vmem>>, vector<16xi32>,
    %add3A_50 = arith.addi %min3A_45, %get3A_49 : vector<16xi32>
    %mul3A_51 = arith.constant 16 : i32
    %mul3A_52 = arith.muli %scan3A_31, %mul3A_51 : i32
    %swap3A_53 = arith.index_cast %mul3A_52 : i32 to index
    %swap3A_54 = tpu.vector_load %arg9[%swap3A_53] {strides = array<i32>} : memref<1312xi32, #tpu.memory_space<vmem>>, vector<16xi32>,
    tpu.vector_store %arg9[%swap3A_53], %add3A_50 {strides = array<i32>} : memref<1312xi32, #tpu.memory_space<vmem>>, vector<16xi32>,
    %scan3A_55 = arith.constant 82 : i32
    %dma_start3A = arith.constant 0 : i32
    %dma_start3A_56 = tpu.memref_slice %arg9[%dma_start3A] : memref<1312xi32, #tpu.memory_space<vmem>> -> memref<656xi32, #tpu.memory_space<vmem>>
    %dma_start3A_57 = arith.constant 0 : i32
    %dma_start3A_58 = arith.constant 0 : i32
    %dma_start3A_59 = tpu.memref_slice %arg3[%dma_start3A_57, %dma_start3A_58] : memref<2600000x32xf32, #tpu.memory_space<hbm>> -> memref<2600000x32xf32, #tpu.memory_space<hbm>>
    tpu.enqueue_indirect_dma source(%dma_start3A_59 : memref<2600000x32xf32, #tpu.memory_space<hbm>>) target(%arg11 : memref<656x32xf32, #tpu.memory_space<vmem>>) offsets(%dma_start3A_56 : memref<656xi32, #tpu.memory_space<vmem>>) semaphore(%arg16 : memref<!tpu.dma_semaphore, #tpu.memory_space<semaphore_mem>>)
    %add3A_60 = arith.constant 1 : i32
    %add3A_61 = arith.addi %mul3A_2, %add3A_60 : i32
    %dma_start3A_62 = arith.constant 0 : i32
    %dma_start3A_63 = tpu.memref_slice %arg7[%dma_start3A_62] : memref<1616xf32, #tpu.memory_space<vmem>> -> memref<1600xf32, #tpu.memory_space<vmem>>
    %dma_start3A_64 = arith.constant 0 : i32
    %dma_start3A_65 = tpu.memref_slice %arg2[%add3A_61, %dma_start3A_64] : memref<1024x1600xf32, #tpu.memory_space<hbm>> -> memref<1x1600xf32, #tpu.memory_space<hbm>>
    %dma_start3A_66 = tpu.memref_squeeze %dma_start3A_65 : memref<1x1600xf32, #tpu.memory_space<hbm>> -> memref<1600xf32, #tpu.memory_space<hbm>>
    %dma_start3A_67 = arith.constant 0 : i32
    %dma_start3A_68 = tpu.memref_slice %arg7[%dma_start3A_67] : memref<1616xf32, #tpu.memory_space<vmem>> -> memref<1600xf32, #tpu.memory_space<vmem>>
    %dma_start3A_69 = arith.constant 0 : i32
    %dma_start3A_70 = tpu.memref_slice %arg2[%add3A_61, %dma_start3A_69] : memref<1024x1600xf32, #tpu.memory_space<hbm>> -> memref<1x1600xf32, #tpu.memory_space<hbm>>
    %dma_start3A_71 = tpu.memref_squeeze %dma_start3A_70 : memref<1x1600xf32, #tpu.memory_space<hbm>> -> memref<1600xf32, #tpu.memory_space<hbm>>
    tpu.enqueue_dma source(%dma_start3A_71 : memref<1600xf32, #tpu.memory_space<hbm>>) target(%dma_start3A_68 : memref<1600xf32, #tpu.memory_space<vmem>>) target_semaphore(%arg15 : memref<!tpu.dma_semaphore, #tpu.memory_space<semaphore_mem>>)
    %scan3A_72 = arith.constant 0 : i32
    %scan3A_73 = arith.constant 0 : i32
    %scan3A_74 = arith.constant 16 : i32
    %scan3A_75 = arith.addi %scan3A_73, %scan3A_74 : i32
    %scan3A_76 = arith.constant 1 : i32
    scf.for %scan3A_104 = %scan3A_73 to %scan3A_75 step %scan3A_76  : i32 {
      %mul3A_105 = arith.constant 2 : i32
      %mul3A_106 = arith.muli %mul3A_105, %scan3A_104 : i32
      %add3A_107 = arith.addi %mul3A_2, %mul3A_106 : i32
      %dma_start3A_108 = arith.constant 648 : i32
      %dma_start3A_109 = tpu.memref_slice %arg9[%dma_start3A_108] : memref<1312xi32, #tpu.memory_space<vmem>> -> memref<656xi32, #tpu.memory_space<vmem>>
      %dma_start3A_110 = arith.constant 0 : i32
      %dma_start3A_111 = arith.constant 0 : i32
      %dma_start3A_112 = tpu.memref_slice %arg3[%dma_start3A_110, %dma_start3A_111] : memref<2600000x32xf32, #tpu.memory_space<hbm>> -> memref<2600000x32xf32, #tpu.memory_space<hbm>>
      tpu.enqueue_indirect_dma source(%dma_start3A_112 : memref<2600000x32xf32, #tpu.memory_space<hbm>>) target(%arg12 : memref<656x32xf32, #tpu.memory_space<vmem>>) offsets(%dma_start3A_109 : memref<656xi32, #tpu.memory_space<vmem>>) semaphore(%arg17 : memref<!tpu.dma_semaphore, #tpu.memory_space<semaphore_mem>>)
      %add3A_113 = arith.constant 1 : i32
      %add3A_114 = arith.addi %add3A_107, %add3A_113 : i32
      %dma_wait3A_115 = arith.constant 0 : i32
      %dma_wait3A_116 = tpu.memref_slice %arg7[%dma_wait3A_115] : memref<1616xf32, #tpu.memory_space<vmem>> -> memref<1600xf32, #tpu.memory_space<vmem>>
      %dma_wait3A_117 = arith.constant 0 : i32
      %dma_wait3A_118 = tpu.memref_slice %arg2[%add3A_114, %dma_wait3A_117] : memref<1024x1600xf32, #tpu.memory_space<hbm>> -> memref<1x1600xf32, #tpu.memory_space<hbm>>
      %dma_wait3A_119 = tpu.memref_squeeze %dma_wait3A_118 : memref<1x1600xf32, #tpu.memory_space<hbm>> -> memref<1600xf32, #tpu.memory_space<hbm>>
      %dma_wait3A_120 = arith.constant 0 : i32
      %dma_wait3A_121 = tpu.memref_slice %arg7[%dma_wait3A_120] : memref<1616xf32, #tpu.memory_space<vmem>> -> memref<1600xf32, #tpu.memory_space<vmem>>
      %dma_wait3A_122 = arith.constant 0 : i32
      %dma_wait3A_123 = tpu.memref_slice %arg2[%add3A_114, %dma_wait3A_122] : memref<1024x1600xf32, #tpu.memory_space<hbm>> -> memref<1x1600xf32, #tpu.memory_space<hbm>>
      %dma_wait3A_124 = tpu.memref_squeeze %dma_wait3A_123 : memref<1x1600xf32, #tpu.memory_space<hbm>> -> memref<1600xf32, #tpu.memory_space<hbm>>
      tpu.wait_dma2 semaphore(%arg15 : memref<!tpu.dma_semaphore, #tpu.memory_space<semaphore_mem>>) src(%dma_wait3A_124 : memref<1600xf32, #tpu.memory_space<hbm>>) dst(%dma_wait3A_121 : memref<1600xf32, #tpu.memory_space<vmem>>)
      %scan3A_125 = arith.constant 0 : i32
      %scan3A_126 = arith.constant 0 : i32
      %scan3A_127 = arith.constant 80 : i32
      %scan3A_128 = arith.addi %scan3A_126, %scan3A_127 : i32
      %scan3A_129 = arith.constant 4 : i32
      scf.for %scan3A_343 = %scan3A_126 to %scan3A_128 step %scan3A_129  : i32 {
        %mul3A_344 = arith.constant 16 : i32
        %mul3A_345 = arith.muli %scan3A_343, %mul3A_344 : i32
        %get3A_346 = arith.index_cast %mul3A_345 : i32 to index
        %get3A_347 = tpu.vector_load %arg7[%get3A_346] {strides = array<i32>} : memref<1616xf32, #tpu.memory_space<vmem>>, vector<16xf32>,
        %add3A_348 = arith.constant 5.000000e-01 : f32
        %add3A_349 = vector.broadcast %add3A_348 : f32 to vector<16xf32>
        %add3A_350 = arith.addf %get3A_347, %add3A_349 : vector<16xf32>
        %convert_element_type3A_351 = arith.fptosi %add3A_350 : vector<16xf32> to vector<16xi32>
        %max3A_352 = arith.constant 0 : i32
        %max3A_353 = vector.broadcast %max3A_352 : i32 to vector<16xi32>
        %max3A_354 = arith.maxsi %convert_element_type3A_351, %max3A_353 : vector<16xi32>
        %min3A_355 = arith.constant 99999 : i32
        %min3A_356 = vector.broadcast %min3A_355 : i32 to vector<16xi32>
        %min3A_357 = arith.minsi %max3A_354, %min3A_356 : vector<16xi32>
        %mul3A_358 = arith.constant 16 : i32
        %mul3A_359 = arith.muli %scan3A_343, %mul3A_358 : i32
        %get3A_360 = arith.index_cast %mul3A_359 : i32 to index
        %get3A_361 = tpu.vector_load %arg8[%get3A_360] {strides = array<i32>} : memref<1312xi32, #tpu.memory_space<vmem>>, vector<16xi32>,
        %add3A_362 = arith.addi %min3A_357, %get3A_361 : vector<16xi32>
        %mul3A_363 = arith.constant 16 : i32
        %mul3A_364 = arith.muli %scan3A_343, %mul3A_363 : i32
        %swap3A_365 = arith.index_cast %mul3A_364 : i32 to index
        %swap3A_366 = tpu.vector_load %arg10[%swap3A_365] {strides = array<i32>} : memref<1312xi32, #tpu.memory_space<vmem>>, vector<16xi32>,
        tpu.vector_store %arg10[%swap3A_365], %add3A_362 {strides = array<i32>} : memref<1312xi32, #tpu.memory_space<vmem>>, vector<16xi32>,
        %scan3A_367 = arith.constant 1 : i32
        %scan3A_368 = arith.addi %scan3A_343, %scan3A_367 : i32
        %mul3A_369 = arith.constant 16 : i32
        %mul3A_370 = arith.muli %scan3A_368, %mul3A_369 : i32
        %get3A_371 = arith.index_cast %mul3A_370 : i32 to index
        %get3A_372 = tpu.vector_load %arg7[%get3A_371] {strides = array<i32>} : memref<1616xf32, #tpu.memory_space<vmem>>, vector<16xf32>,
        %add3A_373 = arith.constant 5.000000e-01 : f32
        %add3A_374 = vector.broadcast %add3A_373 : f32 to vector<16xf32>
        %add3A_375 = arith.addf %get3A_372, %add3A_374 : vector<16xf32>
        %convert_element_type3A_376 = arith.fptosi %add3A_375 : vector<16xf32> to vector<16xi32>
        %max3A_377 = arith.constant 0 : i32
        %max3A_378 = vector.broadcast %max3A_377 : i32 to vector<16xi32>
        %max3A_379 = arith.maxsi %convert_element_type3A_376, %max3A_378 : vector<16xi32>
        %min3A_380 = arith.constant 99999 : i32
        %min3A_381 = vector.broadcast %min3A_380 : i32 to vector<16xi32>
        %min3A_382 = arith.minsi %max3A_379, %min3A_381 : vector<16xi32>
        %mul3A_383 = arith.constant 16 : i32
        %mul3A_384 = arith.muli %scan3A_368, %mul3A_383 : i32
        %get3A_385 = arith.index_cast %mul3A_384 : i32 to index
        %get3A_386 = tpu.vector_load %arg8[%get3A_385] {strides = array<i32>} : memref<1312xi32, #tpu.memory_space<vmem>>, vector<16xi32>,
        %add3A_387 = arith.addi %min3A_382, %get3A_386 : vector<16xi32>
        %mul3A_388 = arith.constant 16 : i32
        %mul3A_389 = arith.muli %scan3A_368, %mul3A_388 : i32
        %swap3A_390 = arith.index_cast %mul3A_389 : i32 to index
        %swap3A_391 = tpu.vector_load %arg10[%swap3A_390] {strides = array<i32>} : memref<1312xi32, #tpu.memory_space<vmem>>, vector<16xi32>,
        tpu.vector_store %arg10[%swap3A_390], %add3A_387 {strides = array<i32>} : memref<1312xi32, #tpu.memory_space<vmem>>, vector<16xi32>,
        %scan3A_392 = arith.constant 2 : i32
        %scan3A_393 = arith.addi %scan3A_343, %scan3A_392 : i32
        %mul3A_394 = arith.constant 16 : i32
        %mul3A_395 = arith.muli %scan3A_393, %mul3A_394 : i32
        %get3A_396 = arith.index_cast %mul3A_395 : i32 to index
        %get3A_397 = tpu.vector_load %arg7[%get3A_396] {strides = array<i32>} : memref<1616xf32, #tpu.memory_space<vmem>>, vector<16xf32>,
        %add3A_398 = arith.constant 5.000000e-01 : f32
        %add3A_399 = vector.broadcast %add3A_398 : f32 to vector<16xf32>
        %add3A_400 = arith.addf %get3A_397, %add3A_399 : vector<16xf32>
        %convert_element_type3A_401 = arith.fptosi %add3A_400 : vector<16xf32> to vector<16xi32>
        %max3A_402 = arith.constant 0 : i32
        %max3A_403 = vector.broadcast %max3A_402 : i32 to vector<16xi32>
        %max3A_404 = arith.maxsi %convert_element_type3A_401, %max3A_403 : vector<16xi32>
        %min3A_405 = arith.constant 99999 : i32
        %min3A_406 = vector.broadcast %min3A_405 : i32 to vector<16xi32>
        %min3A_407 = arith.minsi %max3A_404, %min3A_406 : vector<16xi32>
        %mul3A_408 = arith.constant 16 : i32
        %mul3A_409 = arith.muli %scan3A_393, %mul3A_408 : i32
        %get3A_410 = arith.index_cast %mul3A_409 : i32 to index
        %get3A_411 = tpu.vector_load %arg8[%get3A_410] {strides = array<i32>} : memref<1312xi32, #tpu.memory_space<vmem>>, vector<16xi32>,
        %add3A_412 = arith.addi %min3A_407, %get3A_411 : vector<16xi32>
        %mul3A_413 = arith.constant 16 : i32
        %mul3A_414 = arith.muli %scan3A_393, %mul3A_413 : i32
        %swap3A_415 = arith.index_cast %mul3A_414 : i32 to index
        %swap3A_416 = tpu.vector_load %arg10[%swap3A_415] {strides = array<i32>} : memref<1312xi32, #tpu.memory_space<vmem>>, vector<16xi32>,
        tpu.vector_store %arg10[%swap3A_415], %add3A_412 {strides = array<i32>} : memref<1312xi32, #tpu.memory_space<vmem>>, vector<16xi32>,
        %scan3A_417 = arith.constant 3 : i32
        %scan3A_418 = arith.addi %scan3A_343, %scan3A_417 : i32
        %mul3A_419 = arith.constant 16 : i32
        %mul3A_420 = arith.muli %scan3A_418, %mul3A_419 : i32
        %get3A_421 = arith.index_cast %mul3A_420 : i32 to index
        %get3A_422 = tpu.vector_load %arg7[%get3A_421] {strides = array<i32>} : memref<1616xf32, #tpu.memory_space<vmem>>, vector<16xf32>,
        %add3A_423 = arith.constant 5.000000e-01 : f32
        %add3A_424 = vector.broadcast %add3A_423 : f32 to vector<16xf32>
        %add3A_425 = arith.addf %get3A_422, %add3A_424 : vector<16xf32>
        %convert_element_type3A_426 = arith.fptosi %add3A_425 : vector<16xf32> to vector<16xi32>
        %max3A_427 = arith.constant 0 : i32
        %max3A_428 = vector.broadcast %max3A_427 : i32 to vector<16xi32>
        %max3A_429 = arith.maxsi %convert_element_type3A_426, %max3A_428 : vector<16xi32>
        %min3A_430 = arith.constant 99999 : i32
        %min3A_431 = vector.broadcast %min3A_430 : i32 to vector<16xi32>
        %min3A_432 = arith.minsi %max3A_429, %min3A_431 : vector<16xi32>
        %mul3A_433 = arith.constant 16 : i32
        %mul3A_434 = arith.muli %scan3A_418, %mul3A_433 : i32
        %get3A_435 = arith.index_cast %mul3A_434 : i32 to index
        %get3A_436 = tpu.vector_load %arg8[%get3A_435] {strides = array<i32>} : memref<1312xi32, #tpu.memory_space<vmem>>, vector<16xi32>,
        %add3A_437 = arith.addi %min3A_432, %get3A_436 : vector<16xi32>
        %mul3A_438 = arith.constant 16 : i32
        %mul3A_439 = arith.muli %scan3A_418, %mul3A_438 : i32
        %swap3A_440 = arith.index_cast %mul3A_439 : i32 to index
        %swap3A_441 = tpu.vector_load %arg10[%swap3A_440] {strides = array<i32>} : memref<1312xi32, #tpu.memory_space<vmem>>, vector<16xi32>,
        tpu.vector_store %arg10[%swap3A_440], %add3A_437 {strides = array<i32>} : memref<1312xi32, #tpu.memory_space<vmem>>, vector<16xi32>,
      }
      %scan3A_130 = arith.constant 80 : i32
      %scan3A_131 = arith.addi %scan3A_126, %scan3A_130 : i32
      %mul3A_132 = arith.constant 16 : i32
      %mul3A_133 = arith.muli %scan3A_131, %mul3A_132 : i32
      %get3A_134 = arith.index_cast %mul3A_133 : i32 to index
      %get3A_135 = tpu.vector_load %arg7[%get3A_134] {strides = array<i32>} : memref<1616xf32, #tpu.memory_space<vmem>>, vector<16xf32>,
      %add3A_136 = arith.constant 5.000000e-01 : f32
      %add3A_137 = vector.broadcast %add3A_136 : f32 to vector<16xf32>
      %add3A_138 = arith.addf %get3A_135, %add3A_137 : vector<16xf32>
      %convert_element_type3A_139 = arith.fptosi %add3A_138 : vector<16xf32> to vector<16xi32>
      %max3A_140 = arith.constant 0 : i32
      %max3A_141 = vector.broadcast %max3A_140 : i32 to vector<16xi32>
      %max3A_142 = arith.maxsi %convert_element_type3A_139, %max3A_141 : vector<16xi32>
      %min3A_143 = arith.constant 99999 : i32
      %min3A_144 = vector.broadcast %min3A_143 : i32 to vector<16xi32>
      %min3A_145 = arith.minsi %max3A_142, %min3A_144 : vector<16xi32>
      %mul3A_146 = arith.constant 16 : i32
      %mul3A_147 = arith.muli %scan3A_131, %mul3A_146 : i32
      %get3A_148 = arith.index_cast %mul3A_147 : i32 to index
      %get3A_149 = tpu.vector_load %arg8[%get3A_148] {strides = array<i32>} : memref<1312xi32, #tpu.memory_space<vmem>>, vector<16xi32>,
      %add3A_150 = arith.addi %min3A_145, %get3A_149 : vector<16xi32>
      %mul3A_151 = arith.constant 16 : i32
      %mul3A_152 = arith.muli %scan3A_131, %mul3A_151 : i32
      %swap3A_153 = arith.index_cast %mul3A_152 : i32 to index
      %swap3A_154 = tpu.vector_load %arg10[%swap3A_153] {strides = array<i32>} : memref<1312xi32, #tpu.memory_space<vmem>>, vector<16xi32>,
      tpu.vector_store %arg10[%swap3A_153], %add3A_150 {strides = array<i32>} : memref<1312xi32, #tpu.memory_space<vmem>>, vector<16xi32>,
      %scan3A_155 = arith.constant 81 : i32
      %scan3A_156 = arith.addi %scan3A_126, %scan3A_155 : i32
      %mul3A_157 = arith.constant 16 : i32
      %mul3A_158 = arith.muli %scan3A_156, %mul3A_157 : i32
      %get3A_159 = arith.index_cast %mul3A_158 : i32 to index
      %get3A_160 = tpu.vector_load %arg7[%get3A_159] {strides = array<i32>} : memref<1616xf32, #tpu.memory_space<vmem>>, vector<16xf32>,
      %add3A_161 = arith.constant 5.000000e-01 : f32
      %add3A_162 = vector.broadcast %add3A_161 : f32 to vector<16xf32>
      %add3A_163 = arith.addf %get3A_160, %add3A_162 : vector<16xf32>
      %convert_element_type3A_164 = arith.fptosi %add3A_163 : vector<16xf32> to vector<16xi32>
      %max3A_165 = arith.constant 0 : i32
      %max3A_166 = vector.broadcast %max3A_165 : i32 to vector<16xi32>
      %max3A_167 = arith.maxsi %convert_element_type3A_164, %max3A_166 : vector<16xi32>
      %min3A_168 = arith.constant 99999 : i32
      %min3A_169 = vector.broadcast %min3A_168 : i32 to vector<16xi32>
      %min3A_170 = arith.minsi %max3A_167, %min3A_169 : vector<16xi32>
      %mul3A_171 = arith.constant 16 : i32
      %mul3A_172 = arith.muli %scan3A_156, %mul3A_171 : i32
      %get3A_173 = arith.index_cast %mul3A_172 : i32 to index
      %get3A_174 = tpu.vector_load %arg8[%get3A_173] {strides = array<i32>} : memref<1312xi32, #tpu.memory_space<vmem>>, vector<16xi32>,
      %add3A_175 = arith.addi %min3A_170, %get3A_174 : vector<16xi32>
      %mul3A_176 = arith.constant 16 : i32
      %mul3A_177 = arith.muli %scan3A_156, %mul3A_176 : i32
      %swap3A_178 = arith.index_cast %mul3A_177 : i32 to index
      %swap3A_179 = tpu.vector_load %arg10[%swap3A_178] {strides = array<i32>} : memref<1312xi32, #tpu.memory_space<vmem>>, vector<16xi32>,
      tpu.vector_store %arg10[%swap3A_178], %add3A_175 {strides = array<i32>} : memref<1312xi32, #tpu.memory_space<vmem>>, vector<16xi32>,
      %scan3A_180 = arith.constant 82 : i32
      %dma_wait3A_181 = arith.constant 0 : i32
      %dma_wait3A_182 = tpu.memref_slice %arg9[%dma_wait3A_181] : memref<1312xi32, #tpu.memory_space<vmem>> -> memref<656xi32, #tpu.memory_space<vmem>>
      %dma_wait3A_183 = arith.constant 0 : i32
      %dma_wait3A_184 = arith.constant 0 : i32
      %dma_wait3A_185 = tpu.memref_slice %arg3[%dma_wait3A_183, %dma_wait3A_184] : memref<2600000x32xf32, #tpu.memory_space<hbm>> -> memref<2600000x32xf32, #tpu.memory_space<hbm>>
      tpu.wait_indirect_dma semaphore(%arg16 : memref<!tpu.dma_semaphore, #tpu.memory_space<semaphore_mem>>) src(%dma_wait3A_185 : memref<2600000x32xf32, #tpu.memory_space<hbm>>) dst(%arg11 : memref<656x32xf32, #tpu.memory_space<vmem>>)
      %gt3A = arith.constant 0 : i32
      %gt3A_186 = arith.cmpi sgt, %scan3A_104, %gt3A : i32
      %convert_element_type3A_187 = arith.extui %gt3A_186 : i1 to i32
      %cond3A = arith.constant 0 : i32
      %cond3A_188 = arith.cmpi ne, %convert_element_type3A_187, %cond3A : i32
      scf.if %cond3A_188 {
        %sub3A_343 = arith.constant 1 : i32
        %sub3A_344 = arith.subi %add3A_107, %sub3A_343 : i32
        %dma_wait3A_345 = arith.constant 0 : i32
        %dma_wait3A_346 = tpu.memref_slice %arg13[%dma_wait3A_345] : memref<21104xf32, #tpu.memory_space<vmem>> -> memref<20800xf32, #tpu.memory_space<vmem>>
        %dma_wait3A_347 = arith.constant 0 : i32
        %dma_wait3A_348 = tpu.memref_slice %arg5[%sub3A_344, %dma_wait3A_347] : memref<1024x41900xf32, #tpu.memory_space<hbm>> -> memref<1x20800xf32, #tpu.memory_space<hbm>>
        %dma_wait3A_349 = tpu.memref_squeeze %dma_wait3A_348 : memref<1x20800xf32, #tpu.memory_space<hbm>> -> memref<20800xf32, #tpu.memory_space<hbm>>
        %dma_wait3A_350 = arith.constant 0 : i32
        %dma_wait3A_351 = tpu.memref_slice %arg5[%sub3A_344, %dma_wait3A_350] : memref<1024x41900xf32, #tpu.memory_space<hbm>> -> memref<1x20800xf32, #tpu.memory_space<hbm>>
        %dma_wait3A_352 = tpu.memref_squeeze %dma_wait3A_351 : memref<1x20800xf32, #tpu.memory_space<hbm>> -> memref<20800xf32, #tpu.memory_space<hbm>>
        %dma_wait3A_353 = arith.constant 0 : i32
        %dma_wait3A_354 = tpu.memref_slice %arg13[%dma_wait3A_353] : memref<21104xf32, #tpu.memory_space<vmem>> -> memref<20800xf32, #tpu.memory_space<vmem>>
        tpu.wait_dma2 semaphore(%arg18 : memref<!tpu.dma_semaphore, #tpu.memory_space<semaphore_mem>>) src(%dma_wait3A_354 : memref<20800xf32, #tpu.memory_space<vmem>>) dst(%dma_wait3A_352 : memref<20800xf32, #tpu.memory_space<hbm>>)
      } else {
      }
      %scan3A_189 = arith.constant 0 : i32
      %scan3A_190 = arith.constant 0 : i32
      %scan3A_191 = arith.constant 13 : i32
      %scan3A_192 = arith.addi %scan3A_190, %scan3A_191 : i32
      %scan3A_193 = arith.constant 1 : i32
      scf.for %scan3A_343 = %scan3A_190 to %scan3A_192 step %scan3A_193  : i32 {
        %scan3A_344 = arith.constant 0 : i32
        %scan3A_345 = arith.constant 50 : i32
        %scan3A_346 = arith.addi %scan3A_344, %scan3A_345 : i32
        %scan3A_347 = arith.constant 5 : i32
        scf.for %scan3A_349 = %scan3A_344 to %scan3A_346 step %scan3A_347  : i32 {
          %mul3A_350 = arith.constant 50 : i32
          %mul3A_351 = arith.muli %scan3A_343, %mul3A_350 : i32
          %add3A_352 = arith.addi %mul3A_351, %scan3A_349 : i32
          %add3A_353 = arith.constant 0 : i32
          %add3A_354 = arith.addi %add3A_352, %add3A_353 : i32
          %get3A_355 = arith.index_cast %add3A_354 : i32 to index
          %get3A_356 = arith.constant 0 : index
          %get3A_357 = tpu.vector_load %arg11[%get3A_355, %get3A_356] {strides = array<i32>} : memref<656x32xf32, #tpu.memory_space<vmem>>, vector<16xf32>,
          %get3A_358 = arith.index_cast %add3A_354 : i32 to index
          %get3A_359 = arith.constant 16 : index
          %get3A_360 = tpu.vector_load %arg11[%get3A_358, %get3A_359] {strides = array<i32>} : memref<656x32xf32, #tpu.memory_space<vmem>>, vector<16xf32>,
          %mul3A_361 = arith.constant 1600 : i32
          %mul3A_362 = arith.muli %scan3A_343, %mul3A_361 : i32
          %add3A_363 = arith.addi %mul3A_362, %scan3A_349 : i32
          %add3A_364 = vector.broadcast %add3A_363 : i32 to vector<16xi32>
          %add3A_365 = arith.addi %mul3A_5, %add3A_364 : vector<16xi32>
          tpu.vector_store_idx %arg13[%add3A_365], %get3A_357 : memref<21104xf32, #tpu.memory_space<vmem>>[vector<16xi32>], vector<16xf32>,
          %add3A_366 = arith.constant 800 : i32
          %add3A_367 = vector.broadcast %add3A_366 : i32 to vector<16xi32>
          %add3A_368 = arith.addi %add3A_365, %add3A_367 : vector<16xi32>
          tpu.vector_store_idx %arg13[%add3A_368], %get3A_360 : memref<21104xf32, #tpu.memory_space<vmem>>[vector<16xi32>], vector<16xf32>,
          %scan3A_369 = arith.constant 1 : i32
          %scan3A_370 = arith.addi %scan3A_349, %scan3A_369 : i32
          %mul3A_371 = arith.constant 50 : i32
          %mul3A_372 = arith.muli %scan3A_343, %mul3A_371 : i32
          %add3A_373 = arith.addi %mul3A_372, %scan3A_370 : i32
          %add3A_374 = arith.constant 0 : i32
          %add3A_375 = arith.addi %add3A_373, %add3A_374 : i32
          %get3A_376 = arith.index_cast %add3A_375 : i32 to index
          %get3A_377 = arith.constant 0 : index
          %get3A_378 = tpu.vector_load %arg11[%get3A_376, %get3A_377] {strides = array<i32>} : memref<656x32xf32, #tpu.memory_space<vmem>>, vector<16xf32>,
          %get3A_379 = arith.index_cast %add3A_375 : i32 to index
          %get3A_380 = arith.constant 16 : index
          %get3A_381 = tpu.vector_load %arg11[%get3A_379, %get3A_380] {strides = array<i32>} : memref<656x32xf32, #tpu.memory_space<vmem>>, vector<16xf32>,
          %mul3A_382 = arith.constant 1600 : i32
          %mul3A_383 = arith.muli %scan3A_343, %mul3A_382 : i32
          %add3A_384 = arith.addi %mul3A_383, %scan3A_370 : i32
          %add3A_385 = vector.broadcast %add3A_384 : i32 to vector<16xi32>
          %add3A_386 = arith.addi %mul3A_5, %add3A_385 : vector<16xi32>
          tpu.vector_store_idx %arg13[%add3A_386], %get3A_378 : memref<21104xf32, #tpu.memory_space<vmem>>[vector<16xi32>], vector<16xf32>,
          %add3A_387 = arith.constant 800 : i32
          %add3A_388 = vector.broadcast %add3A_387 : i32 to vector<16xi32>
          %add3A_389 = arith.addi %add3A_386, %add3A_388 : vector<16xi32>
          tpu.vector_store_idx %arg13[%add3A_389], %get3A_381 : memref<21104xf32, #tpu.memory_space<vmem>>[vector<16xi32>], vector<16xf32>,
          %scan3A_390 = arith.constant 2 : i32
          %scan3A_391 = arith.addi %scan3A_349, %scan3A_390 : i32
          %mul3A_392 = arith.constant 50 : i32
          %mul3A_393 = arith.muli %scan3A_343, %mul3A_392 : i32
          %add3A_394 = arith.addi %mul3A_393, %scan3A_391 : i32
          %add3A_395 = arith.constant 0 : i32
          %add3A_396 = arith.addi %add3A_394, %add3A_395 : i32
          %get3A_397 = arith.index_cast %add3A_396 : i32 to index
          %get3A_398 = arith.constant 0 : index
          %get3A_399 = tpu.vector_load %arg11[%get3A_397, %get3A_398] {strides = array<i32>} : memref<656x32xf32, #tpu.memory_space<vmem>>, vector<16xf32>,
          %get3A_400 = arith.index_cast %add3A_396 : i32 to index
          %get3A_401 = arith.constant 16 : index
          %get3A_402 = tpu.vector_load %arg11[%get3A_400, %get3A_401] {strides = array<i32>} : memref<656x32xf32, #tpu.memory_space<vmem>>, vector<16xf32>,
          %mul3A_403 = arith.constant 1600 : i32
          %mul3A_404 = arith.muli %scan3A_343, %mul3A_403 : i32
          %add3A_405 = arith.addi %mul3A_404, %scan3A_391 : i32
          %add3A_406 = vector.broadcast %add3A_405 : i32 to vector<16xi32>
          %add3A_407 = arith.addi %mul3A_5, %add3A_406 : vector<16xi32>
          tpu.vector_store_idx %arg13[%add3A_407], %get3A_399 : memref<21104xf32, #tpu.memory_space<vmem>>[vector<16xi32>], vector<16xf32>,
          %add3A_408 = arith.constant 800 : i32
          %add3A_409 = vector.broadcast %add3A_408 : i32 to vector<16xi32>
          %add3A_410 = arith.addi %add3A_407, %add3A_409 : vector<16xi32>
          tpu.vector_store_idx %arg13[%add3A_410], %get3A_402 : memref<21104xf32, #tpu.memory_space<vmem>>[vector<16xi32>], vector<16xf32>,
          %scan3A_411 = arith.constant 3 : i32
          %scan3A_412 = arith.addi %scan3A_349, %scan3A_411 : i32
          %mul3A_413 = arith.constant 50 : i32
          %mul3A_414 = arith.muli %scan3A_343, %mul3A_413 : i32
          %add3A_415 = arith.addi %mul3A_414, %scan3A_412 : i32
          %add3A_416 = arith.constant 0 : i32
          %add3A_417 = arith.addi %add3A_415, %add3A_416 : i32
          %get3A_418 = arith.index_cast %add3A_417 : i32 to index
          %get3A_419 = arith.constant 0 : index
          %get3A_420 = tpu.vector_load %arg11[%get3A_418, %get3A_419] {strides = array<i32>} : memref<656x32xf32, #tpu.memory_space<vmem>>, vector<16xf32>,
          %get3A_421 = arith.index_cast %add3A_417 : i32 to index
          %get3A_422 = arith.constant 16 : index
          %get3A_423 = tpu.vector_load %arg11[%get3A_421, %get3A_422] {strides = array<i32>} : memref<656x32xf32, #tpu.memory_space<vmem>>, vector<16xf32>,
          %mul3A_424 = arith.constant 1600 : i32
          %mul3A_425 = arith.muli %scan3A_343, %mul3A_424 : i32
          %add3A_426 = arith.addi %mul3A_425, %scan3A_412 : i32
          %add3A_427 = vector.broadcast %add3A_426 : i32 to vector<16xi32>
          %add3A_428 = arith.addi %mul3A_5, %add3A_427 : vector<16xi32>
          tpu.vector_store_idx %arg13[%add3A_428], %get3A_420 : memref<21104xf32, #tpu.memory_space<vmem>>[vector<16xi32>], vector<16xf32>,
          %add3A_429 = arith.constant 800 : i32
          %add3A_430 = vector.broadcast %add3A_429 : i32 to vector<16xi32>
          %add3A_431 = arith.addi %add3A_428, %add3A_430 : vector<16xi32>
          tpu.vector_store_idx %arg13[%add3A_431], %get3A_423 : memref<21104xf32, #tpu.memory_space<vmem>>[vector<16xi32>], vector<16xf32>,
          %scan3A_432 = arith.constant 4 : i32
          %scan3A_433 = arith.addi %scan3A_349, %scan3A_432 : i32
          %mul3A_434 = arith.constant 50 : i32
          %mul3A_435 = arith.muli %scan3A_343, %mul3A_434 : i32
          %add3A_436 = arith.addi %mul3A_435, %scan3A_433 : i32
          %add3A_437 = arith.constant 0 : i32
          %add3A_438 = arith.addi %add3A_436, %add3A_437 : i32
          %get3A_439 = arith.index_cast %add3A_438 : i32 to index
          %get3A_440 = arith.constant 0 : index
          %get3A_441 = tpu.vector_load %arg11[%get3A_439, %get3A_440] {strides = array<i32>} : memref<656x32xf32, #tpu.memory_space<vmem>>, vector<16xf32>,
          %get3A_442 = arith.index_cast %add3A_438 : i32 to index
          %get3A_443 = arith.constant 16 : index
          %get3A_444 = tpu.vector_load %arg11[%get3A_442, %get3A_443] {strides = array<i32>} : memref<656x32xf32, #tpu.memory_space<vmem>>, vector<16xf32>,
          %mul3A_445 = arith.constant 1600 : i32
          %mul3A_446 = arith.muli %scan3A_343, %mul3A_445 : i32
          %add3A_447 = arith.addi %mul3A_446, %scan3A_433 : i32
          %add3A_448 = vector.broadcast %add3A_447 : i32 to vector<16xi32>
          %add3A_449 = arith.addi %mul3A_5, %add3A_448 : vector<16xi32>
          tpu.vector_store_idx %arg13[%add3A_449], %get3A_441 : memref<21104xf32, #tpu.memory_space<vmem>>[vector<16xi32>], vector<16xf32>,
          %add3A_450 = arith.constant 800 : i32
          %add3A_451 = vector.broadcast %add3A_450 : i32 to vector<16xi32>
          %add3A_452 = arith.addi %add3A_449, %add3A_451 : vector<16xi32>
          tpu.vector_store_idx %arg13[%add3A_452], %get3A_444 : memref<21104xf32, #tpu.memory_space<vmem>>[vector<16xi32>], vector<16xf32>,
        }
        %scan3A_348 = arith.constant 50 : i32
      }
      %scan3A_194 = arith.constant 13 : i32
      %dma_start3A_195 = arith.constant 0 : i32
      %dma_start3A_196 = tpu.memref_slice %arg13[%dma_start3A_195] : memref<21104xf32, #tpu.memory_space<vmem>> -> memref<20800xf32, #tpu.memory_space<vmem>>
      %dma_start3A_197 = arith.constant 0 : i32
      %dma_start3A_198 = tpu.memref_slice %arg5[%add3A_107, %dma_start3A_197] : memref<1024x41900xf32, #tpu.memory_space<hbm>> -> memref<1x20800xf32, #tpu.memory_space<hbm>>
      %dma_start3A_199 = tpu.memref_squeeze %dma_start3A_198 : memref<1x20800xf32, #tpu.memory_space<hbm>> -> memref<20800xf32, #tpu.memory_space<hbm>>
      %dma_start3A_200 = arith.constant 0 : i32
      %dma_start3A_201 = tpu.memref_slice %arg5[%add3A_107, %dma_start3A_200] : memref<1024x41900xf32, #tpu.memory_space<hbm>> -> memref<1x20800xf32, #tpu.memory_space<hbm>>
      %dma_start3A_202 = tpu.memref_squeeze %dma_start3A_201 : memref<1x20800xf32, #tpu.memory_space<hbm>> -> memref<20800xf32, #tpu.memory_space<hbm>>
      %dma_start3A_203 = arith.constant 0 : i32
      %dma_start3A_204 = tpu.memref_slice %arg13[%dma_start3A_203] : memref<21104xf32, #tpu.memory_space<vmem>> -> memref<20800xf32, #tpu.memory_space<vmem>>
      tpu.enqueue_dma source(%dma_start3A_204 : memref<20800xf32, #tpu.memory_space<vmem>>) target(%dma_start3A_202 : memref<20800xf32, #tpu.memory_space<hbm>>) target_semaphore(%arg18 : memref<!tpu.dma_semaphore, #tpu.memory_space<semaphore_mem>>)
      %dma_start3A_205 = arith.constant 0 : i32
      %dma_start3A_206 = tpu.memref_slice %arg10[%dma_start3A_205] : memref<1312xi32, #tpu.memory_space<vmem>> -> memref<656xi32, #tpu.memory_space<vmem>>
      %dma_start3A_207 = arith.constant 0 : i32
      %dma_start3A_208 = arith.constant 0 : i32
      %dma_start3A_209 = tpu.memref_slice %arg3[%dma_start3A_207, %dma_start3A_208] : memref<2600000x32xf32, #tpu.memory_space<hbm>> -> memref<2600000x32xf32, #tpu.memory_space<hbm>>
      tpu.enqueue_indirect_dma source(%dma_start3A_209 : memref<2600000x32xf32, #tpu.memory_space<hbm>>) target(%arg11 : memref<656x32xf32, #tpu.memory_space<vmem>>) offsets(%dma_start3A_206 : memref<656xi32, #tpu.memory_space<vmem>>) semaphore(%arg16 : memref<!tpu.dma_semaphore, #tpu.memory_space<semaphore_mem>>)
      %gt3A_210 = arith.constant 0 : i32
      %gt3A_211 = arith.cmpi sgt, %scan3A_104, %gt3A_210 : i32
      %convert_element_type3A_212 = arith.extui %gt3A_211 : i1 to i32
      %cond3A_213 = arith.constant 0 : i32
      %cond3A_214 = arith.cmpi ne, %convert_element_type3A_212, %cond3A_213 : i32
      scf.if %cond3A_214 {
        %sub3A_343 = arith.constant 1 : i32
        %sub3A_344 = arith.subi %add3A_107, %sub3A_343 : i32
        %dma_wait3A_345 = arith.constant 0 : i32
        %dma_wait3A_346 = tpu.memref_slice %arg14[%dma_wait3A_345] : memref<21104xf32, #tpu.memory_space<vmem>> -> memref<21100xf32, #tpu.memory_space<vmem>>
        %dma_wait3A_347 = arith.constant 20800 : i32
        %dma_wait3A_348 = tpu.memref_slice %arg5[%sub3A_344, %dma_wait3A_347] : memref<1024x41900xf32, #tpu.memory_space<hbm>> -> memref<1x21100xf32, #tpu.memory_space<hbm>>
        %dma_wait3A_349 = tpu.memref_squeeze %dma_wait3A_348 : memref<1x21100xf32, #tpu.memory_space<hbm>> -> memref<21100xf32, #tpu.memory_space<hbm>>
        %dma_wait3A_350 = arith.constant 20800 : i32
        %dma_wait3A_351 = tpu.memref_slice %arg5[%sub3A_344, %dma_wait3A_350] : memref<1024x41900xf32, #tpu.memory_space<hbm>> -> memref<1x21100xf32, #tpu.memory_space<hbm>>
        %dma_wait3A_352 = tpu.memref_squeeze %dma_wait3A_351 : memref<1x21100xf32, #tpu.memory_space<hbm>> -> memref<21100xf32, #tpu.memory_space<hbm>>
        %dma_wait3A_353 = arith.constant 0 : i32
        %dma_wait3A_354 = tpu.memref_slice %arg14[%dma_wait3A_353] : memref<21104xf32, #tpu.memory_space<vmem>> -> memref<21100xf32, #tpu.memory_space<vmem>>
        tpu.wait_dma2 semaphore(%arg19 : memref<!tpu.dma_semaphore, #tpu.memory_space<semaphore_mem>>) src(%dma_wait3A_354 : memref<21100xf32, #tpu.memory_space<vmem>>) dst(%dma_wait3A_352 : memref<21100xf32, #tpu.memory_space<hbm>>)
      } else {
      }
      %scan3A_215 = arith.constant 0 : i32
      %scan3A_216 = arith.constant 0 : i32
      %scan3A_217 = arith.constant 19 : i32
      %scan3A_218 = arith.addi %scan3A_216, %scan3A_217 : i32
      %scan3A_219 = arith.constant 1 : i32
      scf.for %scan3A_343 = %scan3A_216 to %scan3A_218 step %scan3A_219  : i32 {
        %iota3A_344 = tpu.iota {dimensions = array<i32: 0>} : vector<16xi32>
        %mul3A_345 = arith.constant 16 : i32
        %mul3A_346 = arith.muli %scan3A_343, %mul3A_345 : i32
        %add3A_347 = arith.constant 1300 : i32
        %add3A_348 = arith.addi %add3A_347, %mul3A_346 : i32
        %add3A_349 = vector.broadcast %add3A_348 : i32 to vector<16xi32>
        %add3A_350 = arith.addi %iota3A_344, %add3A_349 : vector<16xi32>
        %gather3A = tpu.vector_load_idx %arg6[%add3A_350] : memref<1616xf32, #tpu.memory_space<vmem>>[vector<16xi32>], vector<16xf32>,
        %mul3A_351 = arith.constant 16 : i32
        %mul3A_352 = arith.muli %scan3A_343, %mul3A_351 : i32
        %add3A_353 = arith.constant 20800 : i32
        %add3A_354 = arith.addi %add3A_353, %mul3A_352 : i32
        %swap3A_355 = arith.index_cast %add3A_354 : i32 to index
        %swap3A_356 = tpu.vector_load %arg14[%swap3A_355] {strides = array<i32>} : memref<21104xf32, #tpu.memory_space<vmem>>, vector<16xf32>,
        tpu.vector_store %arg14[%swap3A_355], %gather3A {strides = array<i32>} : memref<21104xf32, #tpu.memory_space<vmem>>, vector<16xf32>,
      }
      %scan3A_220 = arith.constant 19 : i32
      %dma_wait3A_221 = arith.constant 648 : i32
      %dma_wait3A_222 = tpu.memref_slice %arg9[%dma_wait3A_221] : memref<1312xi32, #tpu.memory_space<vmem>> -> memref<656xi32, #tpu.memory_space<vmem>>
      %dma_wait3A_223 = arith.constant 0 : i32
      %dma_wait3A_224 = arith.constant 0 : i32
      %dma_wait3A_225 = tpu.memref_slice %arg3[%dma_wait3A_223, %dma_wait3A_224] : memref<2600000x32xf32, #tpu.memory_space<hbm>> -> memref<2600000x32xf32, #tpu.memory_space<hbm>>
      tpu.wait_indirect_dma semaphore(%arg17 : memref<!tpu.dma_semaphore, #tpu.memory_space<semaphore_mem>>) src(%dma_wait3A_225 : memref<2600000x32xf32, #tpu.memory_space<hbm>>) dst(%arg12 : memref<656x32xf32, #tpu.memory_space<vmem>>)
      %scan3A_226 = arith.constant 0 : i32
      %scan3A_227 = arith.constant 0 : i32
      %scan3A_228 = arith.constant 13 : i32
      %scan3A_229 = arith.addi %scan3A_227, %scan3A_228 : i32
      %scan3A_230 = arith.constant 1 : i32
      scf.for %scan3A_343 = %scan3A_227 to %scan3A_229 step %scan3A_230  : i32 {
        %scan3A_344 = arith.constant 0 : i32
        %scan3A_345 = arith.constant 50 : i32
        %scan3A_346 = arith.addi %scan3A_344, %scan3A_345 : i32
        %scan3A_347 = arith.constant 5 : i32
        scf.for %scan3A_349 = %scan3A_344 to %scan3A_346 step %scan3A_347  : i32 {
          %mul3A_350 = arith.constant 50 : i32
          %mul3A_351 = arith.muli %scan3A_343, %mul3A_350 : i32
          %add3A_352 = arith.addi %mul3A_351, %scan3A_349 : i32
          %add3A_353 = arith.constant 2 : i32
          %add3A_354 = arith.addi %add3A_352, %add3A_353 : i32
          %get3A_355 = arith.index_cast %add3A_354 : i32 to index
          %get3A_356 = arith.constant 0 : index
          %get3A_357 = tpu.vector_load %arg12[%get3A_355, %get3A_356] {strides = array<i32>} : memref<656x32xf32, #tpu.memory_space<vmem>>, vector<16xf32>,
          %get3A_358 = arith.index_cast %add3A_354 : i32 to index
          %get3A_359 = arith.constant 16 : index
          %get3A_360 = tpu.vector_load %arg12[%get3A_358, %get3A_359] {strides = array<i32>} : memref<656x32xf32, #tpu.memory_space<vmem>>, vector<16xf32>,
          %mul3A_361 = arith.constant 1600 : i32
          %mul3A_362 = arith.muli %scan3A_343, %mul3A_361 : i32
          %add3A_363 = arith.addi %mul3A_362, %scan3A_349 : i32
          %add3A_364 = vector.broadcast %add3A_363 : i32 to vector<16xi32>
          %add3A_365 = arith.addi %mul3A_5, %add3A_364 : vector<16xi32>
          tpu.vector_store_idx %arg14[%add3A_365], %get3A_357 : memref<21104xf32, #tpu.memory_space<vmem>>[vector<16xi32>], vector<16xf32>,
          %add3A_366 = arith.constant 800 : i32
          %add3A_367 = vector.broadcast %add3A_366 : i32 to vector<16xi32>
          %add3A_368 = arith.addi %add3A_365, %add3A_367 : vector<16xi32>
          tpu.vector_store_idx %arg14[%add3A_368], %get3A_360 : memref<21104xf32, #tpu.memory_space<vmem>>[vector<16xi32>], vector<16xf32>,
          %scan3A_369 = arith.constant 1 : i32
          %scan3A_370 = arith.addi %scan3A_349, %scan3A_369 : i32
          %mul3A_371 = arith.constant 50 : i32
          %mul3A_372 = arith.muli %scan3A_343, %mul3A_371 : i32
          %add3A_373 = arith.addi %mul3A_372, %scan3A_370 : i32
          %add3A_374 = arith.constant 2 : i32
          %add3A_375 = arith.addi %add3A_373, %add3A_374 : i32
          %get3A_376 = arith.index_cast %add3A_375 : i32 to index
          %get3A_377 = arith.constant 0 : index
          %get3A_378 = tpu.vector_load %arg12[%get3A_376, %get3A_377] {strides = array<i32>} : memref<656x32xf32, #tpu.memory_space<vmem>>, vector<16xf32>,
          %get3A_379 = arith.index_cast %add3A_375 : i32 to index
          %get3A_380 = arith.constant 16 : index
          %get3A_381 = tpu.vector_load %arg12[%get3A_379, %get3A_380] {strides = array<i32>} : memref<656x32xf32, #tpu.memory_space<vmem>>, vector<16xf32>,
          %mul3A_382 = arith.constant 1600 : i32
          %mul3A_383 = arith.muli %scan3A_343, %mul3A_382 : i32
          %add3A_384 = arith.addi %mul3A_383, %scan3A_370 : i32
          %add3A_385 = vector.broadcast %add3A_384 : i32 to vector<16xi32>
          %add3A_386 = arith.addi %mul3A_5, %add3A_385 : vector<16xi32>
          tpu.vector_store_idx %arg14[%add3A_386], %get3A_378 : memref<21104xf32, #tpu.memory_space<vmem>>[vector<16xi32>], vector<16xf32>,
          %add3A_387 = arith.constant 800 : i32
          %add3A_388 = vector.broadcast %add3A_387 : i32 to vector<16xi32>
          %add3A_389 = arith.addi %add3A_386, %add3A_388 : vector<16xi32>
          tpu.vector_store_idx %arg14[%add3A_389], %get3A_381 : memref<21104xf32, #tpu.memory_space<vmem>>[vector<16xi32>], vector<16xf32>,
          %scan3A_390 = arith.constant 2 : i32
          %scan3A_391 = arith.addi %scan3A_349, %scan3A_390 : i32
          %mul3A_392 = arith.constant 50 : i32
          %mul3A_393 = arith.muli %scan3A_343, %mul3A_392 : i32
          %add3A_394 = arith.addi %mul3A_393, %scan3A_391 : i32
          %add3A_395 = arith.constant 2 : i32
          %add3A_396 = arith.addi %add3A_394, %add3A_395 : i32
          %get3A_397 = arith.index_cast %add3A_396 : i32 to index
          %get3A_398 = arith.constant 0 : index
          %get3A_399 = tpu.vector_load %arg12[%get3A_397, %get3A_398] {strides = array<i32>} : memref<656x32xf32, #tpu.memory_space<vmem>>, vector<16xf32>,
          %get3A_400 = arith.index_cast %add3A_396 : i32 to index
          %get3A_401 = arith.constant 16 : index
          %get3A_402 = tpu.vector_load %arg12[%get3A_400, %get3A_401] {strides = array<i32>} : memref<656x32xf32, #tpu.memory_space<vmem>>, vector<16xf32>,
          %mul3A_403 = arith.constant 1600 : i32
          %mul3A_404 = arith.muli %scan3A_343, %mul3A_403 : i32
          %add3A_405 = arith.addi %mul3A_404, %scan3A_391 : i32
          %add3A_406 = vector.broadcast %add3A_405 : i32 to vector<16xi32>
          %add3A_407 = arith.addi %mul3A_5, %add3A_406 : vector<16xi32>
          tpu.vector_store_idx %arg14[%add3A_407], %get3A_399 : memref<21104xf32, #tpu.memory_space<vmem>>[vector<16xi32>], vector<16xf32>,
          %add3A_408 = arith.constant 800 : i32
          %add3A_409 = vector.broadcast %add3A_408 : i32 to vector<16xi32>
          %add3A_410 = arith.addi %add3A_407, %add3A_409 : vector<16xi32>
          tpu.vector_store_idx %arg14[%add3A_410], %get3A_402 : memref<21104xf32, #tpu.memory_space<vmem>>[vector<16xi32>], vector<16xf32>,
          %scan3A_411 = arith.constant 3 : i32
          %scan3A_412 = arith.addi %scan3A_349, %scan3A_411 : i32
          %mul3A_413 = arith.constant 50 : i32
          %mul3A_414 = arith.muli %scan3A_343, %mul3A_413 : i32
          %add3A_415 = arith.addi %mul3A_414, %scan3A_412 : i32
          %add3A_416 = arith.constant 2 : i32
          %add3A_417 = arith.addi %add3A_415, %add3A_416 : i32
          %get3A_418 = arith.index_cast %add3A_417 : i32 to index
          %get3A_419 = arith.constant 0 : index
          %get3A_420 = tpu.vector_load %arg12[%get3A_418, %get3A_419] {strides = array<i32>} : memref<656x32xf32, #tpu.memory_space<vmem>>, vector<16xf32>,
          %get3A_421 = arith.index_cast %add3A_417 : i32 to index
          %get3A_422 = arith.constant 16 : index
          %get3A_423 = tpu.vector_load %arg12[%get3A_421, %get3A_422] {strides = array<i32>} : memref<656x32xf32, #tpu.memory_space<vmem>>, vector<16xf32>,
          %mul3A_424 = arith.constant 1600 : i32
          %mul3A_425 = arith.muli %scan3A_343, %mul3A_424 : i32
          %add3A_426 = arith.addi %mul3A_425, %scan3A_412 : i32
          %add3A_427 = vector.broadcast %add3A_426 : i32 to vector<16xi32>
          %add3A_428 = arith.addi %mul3A_5, %add3A_427 : vector<16xi32>
          tpu.vector_store_idx %arg14[%add3A_428], %get3A_420 : memref<21104xf32, #tpu.memory_space<vmem>>[vector<16xi32>], vector<16xf32>,
          %add3A_429 = arith.constant 800 : i32
          %add3A_430 = vector.broadcast %add3A_429 : i32 to vector<16xi32>
          %add3A_431 = arith.addi %add3A_428, %add3A_430 : vector<16xi32>
          tpu.vector_store_idx %arg14[%add3A_431], %get3A_423 : memref<21104xf32, #tpu.memory_space<vmem>>[vector<16xi32>], vector<16xf32>,
          %scan3A_432 = arith.constant 4 : i32
          %scan3A_433 = arith.addi %scan3A_349, %scan3A_432 : i32
          %mul3A_434 = arith.constant 50 : i32
          %mul3A_435 = arith.muli %scan3A_343, %mul3A_434 : i32
          %add3A_436 = arith.addi %mul3A_435, %scan3A_433 : i32
          %add3A_437 = arith.constant 2 : i32
          %add3A_438 = arith.addi %add3A_436, %add3A_437 : i32
          %get3A_439 = arith.index_cast %add3A_438 : i32 to index
          %get3A_440 = arith.constant 0 : index
          %get3A_441 = tpu.vector_load %arg12[%get3A_439, %get3A_440] {strides = array<i32>} : memref<656x32xf32, #tpu.memory_space<vmem>>, vector<16xf32>,
          %get3A_442 = arith.index_cast %add3A_438 : i32 to index
          %get3A_443 = arith.constant 16 : index
          %get3A_444 = tpu.vector_load %arg12[%get3A_442, %get3A_443] {strides = array<i32>} : memref<656x32xf32, #tpu.memory_space<vmem>>, vector<16xf32>,
          %mul3A_445 = arith.constant 1600 : i32
          %mul3A_446 = arith.muli %scan3A_343, %mul3A_445 : i32
          %add3A_447 = arith.addi %mul3A_446, %scan3A_433 : i32
          %add3A_448 = vector.broadcast %add3A_447 : i32 to vector<16xi32>
          %add3A_449 = arith.addi %mul3A_5, %add3A_448 : vector<16xi32>
          tpu.vector_store_idx %arg14[%add3A_449], %get3A_441 : memref<21104xf32, #tpu.memory_space<vmem>>[vector<16xi32>], vector<16xf32>,
          %add3A_450 = arith.constant 800 : i32
          %add3A_451 = vector.broadcast %add3A_450 : i32 to vector<16xi32>
          %add3A_452 = arith.addi %add3A_449, %add3A_451 : vector<16xi32>
          tpu.vector_store_idx %arg14[%add3A_452], %get3A_444 : memref<21104xf32, #tpu.memory_space<vmem>>[vector<16xi32>], vector<16xf32>,
        }
        %scan3A_348 = arith.constant 50 : i32
      }
      %scan3A_231 = arith.constant 13 : i32
      %dma_start3A_232 = arith.constant 0 : i32
      %dma_start3A_233 = tpu.memref_slice %arg14[%dma_start3A_232] : memref<21104xf32, #tpu.memory_space<vmem>> -> memref<21100xf32, #tpu.memory_space<vmem>>
      %dma_start3A_234 = arith.constant 20800 : i32
      %dma_start3A_235 = tpu.memref_slice %arg5[%add3A_107, %dma_start3A_234] : memref<1024x41900xf32, #tpu.memory_space<hbm>> -> memref<1x21100xf32, #tpu.memory_space<hbm>>
      %dma_start3A_236 = tpu.memref_squeeze %dma_start3A_235 : memref<1x21100xf32, #tpu.memory_space<hbm>> -> memref<21100xf32, #tpu.memory_space<hbm>>
      %dma_start3A_237 = arith.constant 20800 : i32
      %dma_start3A_238 = tpu.memref_slice %arg5[%add3A_107, %dma_start3A_237] : memref<1024x41900xf32, #tpu.memory_space<hbm>> -> memref<1x21100xf32, #tpu.memory_space<hbm>>
      %dma_start3A_239 = tpu.memref_squeeze %dma_start3A_238 : memref<1x21100xf32, #tpu.memory_space<hbm>> -> memref<21100xf32, #tpu.memory_space<hbm>>
      %dma_start3A_240 = arith.constant 0 : i32
      %dma_start3A_241 = tpu.memref_slice %arg14[%dma_start3A_240] : memref<21104xf32, #tpu.memory_space<vmem>> -> memref<21100xf32, #tpu.memory_space<vmem>>
      tpu.enqueue_dma source(%dma_start3A_241 : memref<21100xf32, #tpu.memory_space<vmem>>) target(%dma_start3A_239 : memref<21100xf32, #tpu.memory_space<hbm>>) target_semaphore(%arg19 : memref<!tpu.dma_semaphore, #tpu.memory_space<semaphore_mem>>)
      %lt3A = arith.constant 15 : i32
      %lt3A_242 = arith.cmpi slt, %scan3A_104, %lt3A : i32
      %convert_element_type3A_243 = arith.extui %lt3A_242 : i1 to i32
      %cond3A_244 = arith.constant 0 : i32
      %cond3A_245 = arith.cmpi ne, %convert_element_type3A_243, %cond3A_244 : i32
      scf.if %cond3A_245 {
        %add3A_343 = arith.constant 2 : i32
        %add3A_344 = arith.addi %add3A_107, %add3A_343 : i32
        %dma_start3A_345 = arith.constant 0 : i32
        %dma_start3A_346 = tpu.memref_slice %arg6[%dma_start3A_345] : memref<1616xf32, #tpu.memory_space<vmem>> -> memref<1600xf32, #tpu.memory_space<vmem>>
        %dma_start3A_347 = arith.constant 0 : i32
        %dma_start3A_348 = tpu.memref_slice %arg2[%add3A_344, %dma_start3A_347] : memref<1024x1600xf32, #tpu.memory_space<hbm>> -> memref<1x1600xf32, #tpu.memory_space<hbm>>
        %dma_start3A_349 = tpu.memref_squeeze %dma_start3A_348 : memref<1x1600xf32, #tpu.memory_space<hbm>> -> memref<1600xf32, #tpu.memory_space<hbm>>
        %dma_start3A_350 = arith.constant 0 : i32
        %dma_start3A_351 = tpu.memref_slice %arg6[%dma_start3A_350] : memref<1616xf32, #tpu.memory_space<vmem>> -> memref<1600xf32, #tpu.memory_space<vmem>>
        %dma_start3A_352 = arith.constant 0 : i32
        %dma_start3A_353 = tpu.memref_slice %arg2[%add3A_344, %dma_start3A_352] : memref<1024x1600xf32, #tpu.memory_space<hbm>> -> memref<1x1600xf32, #tpu.memory_space<hbm>>
        %dma_start3A_354 = tpu.memref_squeeze %dma_start3A_353 : memref<1x1600xf32, #tpu.memory_space<hbm>> -> memref<1600xf32, #tpu.memory_space<hbm>>
        tpu.enqueue_dma source(%dma_start3A_354 : memref<1600xf32, #tpu.memory_space<hbm>>) target(%dma_start3A_351 : memref<1600xf32, #tpu.memory_space<vmem>>) target_semaphore(%arg15 : memref<!tpu.dma_semaphore, #tpu.memory_space<semaphore_mem>>)
      } else {
      }
      %mul3A_246 = arith.constant 2 : i32
      %mul3A_247 = arith.muli %mul3A_246, %scan3A_104 : i32
      %add3A_248 = arith.constant 1 : i32
      %add3A_249 = arith.addi %mul3A_247, %add3A_248 : i32
      %add3A_250 = arith.addi %mul3A_2, %add3A_249 : i32
      %dma_start3A_251 = arith.constant 648 : i32
      %dma_start3A_252 = tpu.memref_slice %arg10[%dma_start3A_251] : memref<1312xi32, #tpu.memory_space<vmem>> -> memref<656xi32, #tpu.memory_space<vmem>>
      %dma_start3A_253 = arith.constant 0 : i32
      %dma_start3A_254 = arith.constant 0 : i32
      %dma_start3A_255 = tpu.memref_slice %arg3[%dma_start3A_253, %dma_start3A_254] : memref<2600000x32xf32, #tpu.memory_space<hbm>> -> memref<2600000x32xf32, #tpu.memory_space<hbm>>
      tpu.enqueue_indirect_dma source(%dma_start3A_255 : memref<2600000x32xf32, #tpu.memory_space<hbm>>) target(%arg12 : memref<656x32xf32, #tpu.memory_space<vmem>>) offsets(%dma_start3A_252 : memref<656xi32, #tpu.memory_space<vmem>>) semaphore(%arg17 : memref<!tpu.dma_semaphore, #tpu.memory_space<semaphore_mem>>)
      %lt3A_256 = arith.constant 15 : i32
      %lt3A_257 = arith.cmpi slt, %scan3A_104, %lt3A_256 : i32
      %convert_element_type3A_258 = arith.extui %lt3A_257 : i1 to i32
      %cond3A_259 = arith.constant 0 : i32
      %cond3A_260 = arith.cmpi ne, %convert_element_type3A_258, %cond3A_259 : i32
      scf.if %cond3A_260 {
        %add3A_343 = arith.constant 1 : i32
        %add3A_344 = arith.addi %add3A_250, %add3A_343 : i32
        %dma_wait3A_345 = arith.constant 0 : i32
        %dma_wait3A_346 = tpu.memref_slice %arg6[%dma_wait3A_345] : memref<1616xf32, #tpu.memory_space<vmem>> -> memref<1600xf32, #tpu.memory_space<vmem>>
        %dma_wait3A_347 = arith.constant 0 : i32
        %dma_wait3A_348 = tpu.memref_slice %arg2[%add3A_344, %dma_wait3A_347] : memref<1024x1600xf32, #tpu.memory_space<hbm>> -> memref<1x1600xf32, #tpu.memory_space<hbm>>
        %dma_wait3A_349 = tpu.memref_squeeze %dma_wait3A_348 : memref<1x1600xf32, #tpu.memory_space<hbm>> -> memref<1600xf32, #tpu.memory_space<hbm>>
        %dma_wait3A_350 = arith.constant 0 : i32
        %dma_wait3A_351 = tpu.memref_slice %arg6[%dma_wait3A_350] : memref<1616xf32, #tpu.memory_space<vmem>> -> memref<1600xf32, #tpu.memory_space<vmem>>
        %dma_wait3A_352 = arith.constant 0 : i32
        %dma_wait3A_353 = tpu.memref_slice %arg2[%add3A_344, %dma_wait3A_352] : memref<1024x1600xf32, #tpu.memory_space<hbm>> -> memref<1x1600xf32, #tpu.memory_space<hbm>>
        %dma_wait3A_354 = tpu.memref_squeeze %dma_wait3A_353 : memref<1x1600xf32, #tpu.memory_space<hbm>> -> memref<1600xf32, #tpu.memory_space<hbm>>
        tpu.wait_dma2 semaphore(%arg15 : memref<!tpu.dma_semaphore, #tpu.memory_space<semaphore_mem>>) src(%dma_wait3A_354 : memref<1600xf32, #tpu.memory_space<hbm>>) dst(%dma_wait3A_351 : memref<1600xf32, #tpu.memory_space<vmem>>)
        %scan3A_355 = arith.constant 0 : i32
        %scan3A_356 = arith.constant 0 : i32
        %scan3A_357 = arith.constant 80 : i32
        %scan3A_358 = arith.addi %scan3A_356, %scan3A_357 : i32
        %scan3A_359 = arith.constant 4 : i32
        scf.for %scan3A_411 = %scan3A_356 to %scan3A_358 step %scan3A_359  : i32 {
          %mul3A_412 = arith.constant 16 : i32
          %mul3A_413 = arith.muli %scan3A_411, %mul3A_412 : i32
          %get3A_414 = arith.index_cast %mul3A_413 : i32 to index
          %get3A_415 = tpu.vector_load %arg6[%get3A_414] {strides = array<i32>} : memref<1616xf32, #tpu.memory_space<vmem>>, vector<16xf32>,
          %add3A_416 = arith.constant 5.000000e-01 : f32
          %add3A_417 = vector.broadcast %add3A_416 : f32 to vector<16xf32>
          %add3A_418 = arith.addf %get3A_415, %add3A_417 : vector<16xf32>
          %convert_element_type3A_419 = arith.fptosi %add3A_418 : vector<16xf32> to vector<16xi32>
          %max3A_420 = arith.constant 0 : i32
          %max3A_421 = vector.broadcast %max3A_420 : i32 to vector<16xi32>
          %max3A_422 = arith.maxsi %convert_element_type3A_419, %max3A_421 : vector<16xi32>
          %min3A_423 = arith.constant 99999 : i32
          %min3A_424 = vector.broadcast %min3A_423 : i32 to vector<16xi32>
          %min3A_425 = arith.minsi %max3A_422, %min3A_424 : vector<16xi32>
          %mul3A_426 = arith.constant 16 : i32
          %mul3A_427 = arith.muli %scan3A_411, %mul3A_426 : i32
          %get3A_428 = arith.index_cast %mul3A_427 : i32 to index
          %get3A_429 = tpu.vector_load %arg8[%get3A_428] {strides = array<i32>} : memref<1312xi32, #tpu.memory_space<vmem>>, vector<16xi32>,
          %add3A_430 = arith.addi %min3A_425, %get3A_429 : vector<16xi32>
          %mul3A_431 = arith.constant 16 : i32
          %mul3A_432 = arith.muli %scan3A_411, %mul3A_431 : i32
          %swap3A_433 = arith.index_cast %mul3A_432 : i32 to index
          %swap3A_434 = tpu.vector_load %arg9[%swap3A_433] {strides = array<i32>} : memref<1312xi32, #tpu.memory_space<vmem>>, vector<16xi32>,
          tpu.vector_store %arg9[%swap3A_433], %add3A_430 {strides = array<i32>} : memref<1312xi32, #tpu.memory_space<vmem>>, vector<16xi32>,
          %scan3A_435 = arith.constant 1 : i32
          %scan3A_436 = arith.addi %scan3A_411, %scan3A_435 : i32
          %mul3A_437 = arith.constant 16 : i32
          %mul3A_438 = arith.muli %scan3A_436, %mul3A_437 : i32
          %get3A_439 = arith.index_cast %mul3A_438 : i32 to index
          %get3A_440 = tpu.vector_load %arg6[%get3A_439] {strides = array<i32>} : memref<1616xf32, #tpu.memory_space<vmem>>, vector<16xf32>,
          %add3A_441 = arith.constant 5.000000e-01 : f32
          %add3A_442 = vector.broadcast %add3A_441 : f32 to vector<16xf32>
          %add3A_443 = arith.addf %get3A_440, %add3A_442 : vector<16xf32>
          %convert_element_type3A_444 = arith.fptosi %add3A_443 : vector<16xf32> to vector<16xi32>
          %max3A_445 = arith.constant 0 : i32
          %max3A_446 = vector.broadcast %max3A_445 : i32 to vector<16xi32>
          %max3A_447 = arith.maxsi %convert_element_type3A_444, %max3A_446 : vector<16xi32>
          %min3A_448 = arith.constant 99999 : i32
          %min3A_449 = vector.broadcast %min3A_448 : i32 to vector<16xi32>
          %min3A_450 = arith.minsi %max3A_447, %min3A_449 : vector<16xi32>
          %mul3A_451 = arith.constant 16 : i32
          %mul3A_452 = arith.muli %scan3A_436, %mul3A_451 : i32
          %get3A_453 = arith.index_cast %mul3A_452 : i32 to index
          %get3A_454 = tpu.vector_load %arg8[%get3A_453] {strides = array<i32>} : memref<1312xi32, #tpu.memory_space<vmem>>, vector<16xi32>,
          %add3A_455 = arith.addi %min3A_450, %get3A_454 : vector<16xi32>
          %mul3A_456 = arith.constant 16 : i32
          %mul3A_457 = arith.muli %scan3A_436, %mul3A_456 : i32
          %swap3A_458 = arith.index_cast %mul3A_457 : i32 to index
          %swap3A_459 = tpu.vector_load %arg9[%swap3A_458] {strides = array<i32>} : memref<1312xi32, #tpu.memory_space<vmem>>, vector<16xi32>,
          tpu.vector_store %arg9[%swap3A_458], %add3A_455 {strides = array<i32>} : memref<1312xi32, #tpu.memory_space<vmem>>, vector<16xi32>,
          %scan3A_460 = arith.constant 2 : i32
          %scan3A_461 = arith.addi %scan3A_411, %scan3A_460 : i32
          %mul3A_462 = arith.constant 16 : i32
          %mul3A_463 = arith.muli %scan3A_461, %mul3A_462 : i32
          %get3A_464 = arith.index_cast %mul3A_463 : i32 to index
          %get3A_465 = tpu.vector_load %arg6[%get3A_464] {strides = array<i32>} : memref<1616xf32, #tpu.memory_space<vmem>>, vector<16xf32>,
          %add3A_466 = arith.constant 5.000000e-01 : f32
          %add3A_467 = vector.broadcast %add3A_466 : f32 to vector<16xf32>
          %add3A_468 = arith.addf %get3A_465, %add3A_467 : vector<16xf32>
          %convert_element_type3A_469 = arith.fptosi %add3A_468 : vector<16xf32> to vector<16xi32>
          %max3A_470 = arith.constant 0 : i32
          %max3A_471 = vector.broadcast %max3A_470 : i32 to vector<16xi32>
          %max3A_472 = arith.maxsi %convert_element_type3A_469, %max3A_471 : vector<16xi32>
          %min3A_473 = arith.constant 99999 : i32
          %min3A_474 = vector.broadcast %min3A_473 : i32 to vector<16xi32>
          %min3A_475 = arith.minsi %max3A_472, %min3A_474 : vector<16xi32>
          %mul3A_476 = arith.constant 16 : i32
          %mul3A_477 = arith.muli %scan3A_461, %mul3A_476 : i32
          %get3A_478 = arith.index_cast %mul3A_477 : i32 to index
          %get3A_479 = tpu.vector_load %arg8[%get3A_478] {strides = array<i32>} : memref<1312xi32, #tpu.memory_space<vmem>>, vector<16xi32>,
          %add3A_480 = arith.addi %min3A_475, %get3A_479 : vector<16xi32>
          %mul3A_481 = arith.constant 16 : i32
          %mul3A_482 = arith.muli %scan3A_461, %mul3A_481 : i32
          %swap3A_483 = arith.index_cast %mul3A_482 : i32 to index
          %swap3A_484 = tpu.vector_load %arg9[%swap3A_483] {strides = array<i32>} : memref<1312xi32, #tpu.memory_space<vmem>>, vector<16xi32>,
          tpu.vector_store %arg9[%swap3A_483], %add3A_480 {strides = array<i32>} : memref<1312xi32, #tpu.memory_space<vmem>>, vector<16xi32>,
          %scan3A_485 = arith.constant 3 : i32
          %scan3A_486 = arith.addi %scan3A_411, %scan3A_485 : i32
          %mul3A_487 = arith.constant 16 : i32
          %mul3A_488 = arith.muli %scan3A_486, %mul3A_487 : i32
          %get3A_489 = arith.index_cast %mul3A_488 : i32 to index
          %get3A_490 = tpu.vector_load %arg6[%get3A_489] {strides = array<i32>} : memref<1616xf32, #tpu.memory_space<vmem>>, vector<16xf32>,
          %add3A_491 = arith.constant 5.000000e-01 : f32
          %add3A_492 = vector.broadcast %add3A_491 : f32 to vector<16xf32>
          %add3A_493 = arith.addf %get3A_490, %add3A_492 : vector<16xf32>
          %convert_element_type3A_494 = arith.fptosi %add3A_493 : vector<16xf32> to vector<16xi32>
          %max3A_495 = arith.constant 0 : i32
          %max3A_496 = vector.broadcast %max3A_495 : i32 to vector<16xi32>
          %max3A_497 = arith.maxsi %convert_element_type3A_494, %max3A_496 : vector<16xi32>
          %min3A_498 = arith.constant 99999 : i32
          %min3A_499 = vector.broadcast %min3A_498 : i32 to vector<16xi32>
          %min3A_500 = arith.minsi %max3A_497, %min3A_499 : vector<16xi32>
          %mul3A_501 = arith.constant 16 : i32
          %mul3A_502 = arith.muli %scan3A_486, %mul3A_501 : i32
          %get3A_503 = arith.index_cast %mul3A_502 : i32 to index
          %get3A_504 = tpu.vector_load %arg8[%get3A_503] {strides = array<i32>} : memref<1312xi32, #tpu.memory_space<vmem>>, vector<16xi32>,
          %add3A_505 = arith.addi %min3A_500, %get3A_504 : vector<16xi32>
          %mul3A_506 = arith.constant 16 : i32
          %mul3A_507 = arith.muli %scan3A_486, %mul3A_506 : i32
          %swap3A_508 = arith.index_cast %mul3A_507 : i32 to index
          %swap3A_509 = tpu.vector_load %arg9[%swap3A_508] {strides = array<i32>} : memref<1312xi32, #tpu.memory_space<vmem>>, vector<16xi32>,
          tpu.vector_store %arg9[%swap3A_508], %add3A_505 {strides = array<i32>} : memref<1312xi32, #tpu.memory_space<vmem>>, vector<16xi32>,
        }
        %scan3A_360 = arith.constant 80 : i32
        %scan3A_361 = arith.addi %scan3A_356, %scan3A_360 : i32
        %mul3A_362 = arith.constant 16 : i32
        %mul3A_363 = arith.muli %scan3A_361, %mul3A_362 : i32
        %get3A_364 = arith.index_cast %mul3A_363 : i32 to index
        %get3A_365 = tpu.vector_load %arg6[%get3A_364] {strides = array<i32>} : memref<1616xf32, #tpu.memory_space<vmem>>, vector<16xf32>,
        %add3A_366 = arith.constant 5.000000e-01 : f32
        %add3A_367 = vector.broadcast %add3A_366 : f32 to vector<16xf32>
        %add3A_368 = arith.addf %get3A_365, %add3A_367 : vector<16xf32>
        %convert_element_type3A_369 = arith.fptosi %add3A_368 : vector<16xf32> to vector<16xi32>
        %max3A_370 = arith.constant 0 : i32
        %max3A_371 = vector.broadcast %max3A_370 : i32 to vector<16xi32>
        %max3A_372 = arith.maxsi %convert_element_type3A_369, %max3A_371 : vector<16xi32>
        %min3A_373 = arith.constant 99999 : i32
        %min3A_374 = vector.broadcast %min3A_373 : i32 to vector<16xi32>
        %min3A_375 = arith.minsi %max3A_372, %min3A_374 : vector<16xi32>
        %mul3A_376 = arith.constant 16 : i32
        %mul3A_377 = arith.muli %scan3A_361, %mul3A_376 : i32
        %get3A_378 = arith.index_cast %mul3A_377 : i32 to index
        %get3A_379 = tpu.vector_load %arg8[%get3A_378] {strides = array<i32>} : memref<1312xi32, #tpu.memory_space<vmem>>, vector<16xi32>,
        %add3A_380 = arith.addi %min3A_375, %get3A_379 : vector<16xi32>
        %mul3A_381 = arith.constant 16 : i32
        %mul3A_382 = arith.muli %scan3A_361, %mul3A_381 : i32
        %swap3A_383 = arith.index_cast %mul3A_382 : i32 to index
        %swap3A_384 = tpu.vector_load %arg9[%swap3A_383] {strides = array<i32>} : memref<1312xi32, #tpu.memory_space<vmem>>, vector<16xi32>,
        tpu.vector_store %arg9[%swap3A_383], %add3A_380 {strides = array<i32>} : memref<1312xi32, #tpu.memory_space<vmem>>, vector<16xi32>,
        %scan3A_385 = arith.constant 81 : i32
        %scan3A_386 = arith.addi %scan3A_356, %scan3A_385 : i32
        %mul3A_387 = arith.constant 16 : i32
        %mul3A_388 = arith.muli %scan3A_386, %mul3A_387 : i32
        %get3A_389 = arith.index_cast %mul3A_388 : i32 to index
        %get3A_390 = tpu.vector_load %arg6[%get3A_389] {strides = array<i32>} : memref<1616xf32, #tpu.memory_space<vmem>>, vector<16xf32>,
        %add3A_391 = arith.constant 5.000000e-01 : f32
        %add3A_392 = vector.broadcast %add3A_391 : f32 to vector<16xf32>
        %add3A_393 = arith.addf %get3A_390, %add3A_392 : vector<16xf32>
        %convert_element_type3A_394 = arith.fptosi %add3A_393 : vector<16xf32> to vector<16xi32>
        %max3A_395 = arith.constant 0 : i32
        %max3A_396 = vector.broadcast %max3A_395 : i32 to vector<16xi32>
        %max3A_397 = arith.maxsi %convert_element_type3A_394, %max3A_396 : vector<16xi32>
        %min3A_398 = arith.constant 99999 : i32
        %min3A_399 = vector.broadcast %min3A_398 : i32 to vector<16xi32>
        %min3A_400 = arith.minsi %max3A_397, %min3A_399 : vector<16xi32>
        %mul3A_401 = arith.constant 16 : i32
        %mul3A_402 = arith.muli %scan3A_386, %mul3A_401 : i32
        %get3A_403 = arith.index_cast %mul3A_402 : i32 to index
        %get3A_404 = tpu.vector_load %arg8[%get3A_403] {strides = array<i32>} : memref<1312xi32, #tpu.memory_space<vmem>>, vector<16xi32>,
        %add3A_405 = arith.addi %min3A_400, %get3A_404 : vector<16xi32>
        %mul3A_406 = arith.constant 16 : i32
        %mul3A_407 = arith.muli %scan3A_386, %mul3A_406 : i32
        %swap3A_408 = arith.index_cast %mul3A_407 : i32 to index
        %swap3A_409 = tpu.vector_load %arg9[%swap3A_408] {strides = array<i32>} : memref<1312xi32, #tpu.memory_space<vmem>>, vector<16xi32>,
        tpu.vector_store %arg9[%swap3A_408], %add3A_405 {strides = array<i32>} : memref<1312xi32, #tpu.memory_space<vmem>>, vector<16xi32>,
        %scan3A_410 = arith.constant 82 : i32
      } else {
      }
      %dma_wait3A_261 = arith.constant 0 : i32
      %dma_wait3A_262 = tpu.memref_slice %arg10[%dma_wait3A_261] : memref<1312xi32, #tpu.memory_space<vmem>> -> memref<656xi32, #tpu.memory_space<vmem>>
      %dma_wait3A_263 = arith.constant 0 : i32
      %dma_wait3A_264 = arith.constant 0 : i32
      %dma_wait3A_265 = tpu.memref_slice %arg3[%dma_wait3A_263, %dma_wait3A_264] : memref<2600000x32xf32, #tpu.memory_space<hbm>> -> memref<2600000x32xf32, #tpu.memory_space<hbm>>
      tpu.wait_indirect_dma semaphore(%arg16 : memref<!tpu.dma_semaphore, #tpu.memory_space<semaphore_mem>>) src(%dma_wait3A_265 : memref<2600000x32xf32, #tpu.memory_space<hbm>>) dst(%arg11 : memref<656x32xf32, #tpu.memory_space<vmem>>)
      %sub3A_266 = arith.constant 1 : i32
      %sub3A_267 = arith.subi %add3A_250, %sub3A_266 : i32
      %dma_wait3A_268 = arith.constant 0 : i32
      %dma_wait3A_269 = tpu.memref_slice %arg13[%dma_wait3A_268] : memref<21104xf32, #tpu.memory_space<vmem>> -> memref<20800xf32, #tpu.memory_space<vmem>>
      %dma_wait3A_270 = arith.constant 0 : i32
      %dma_wait3A_271 = tpu.memref_slice %arg5[%sub3A_267, %dma_wait3A_270] : memref<1024x41900xf32, #tpu.memory_space<hbm>> -> memref<1x20800xf32, #tpu.memory_space<hbm>>
      %dma_wait3A_272 = tpu.memref_squeeze %dma_wait3A_271 : memref<1x20800xf32, #tpu.memory_space<hbm>> -> memref<20800xf32, #tpu.memory_space<hbm>>
      %dma_wait3A_273 = arith.constant 0 : i32
      %dma_wait3A_274 = tpu.memref_slice %arg5[%sub3A_267, %dma_wait3A_273] : memref<1024x41900xf32, #tpu.memory_space<hbm>> -> memref<1x20800xf32, #tpu.memory_space<hbm>>
      %dma_wait3A_275 = tpu.memref_squeeze %dma_wait3A_274 : memref<1x20800xf32, #tpu.memory_space<hbm>> -> memref<20800xf32, #tpu.memory_space<hbm>>
      %dma_wait3A_276 = arith.constant 0 : i32
      %dma_wait3A_277 = tpu.memref_slice %arg13[%dma_wait3A_276] : memref<21104xf32, #tpu.memory_space<vmem>> -> memref<20800xf32, #tpu.memory_space<vmem>>
      tpu.wait_dma2 semaphore(%arg18 : memref<!tpu.dma_semaphore, #tpu.memory_space<semaphore_mem>>) src(%dma_wait3A_277 : memref<20800xf32, #tpu.memory_space<vmem>>) dst(%dma_wait3A_275 : memref<20800xf32, #tpu.memory_space<hbm>>)
      %scan3A_278 = arith.constant 0 : i32
      %scan3A_279 = arith.constant 0 : i32
      %scan3A_280 = arith.constant 13 : i32
      %scan3A_281 = arith.addi %scan3A_279, %scan3A_280 : i32
      %scan3A_282 = arith.constant 1 : i32
      scf.for %scan3A_343 = %scan3A_279 to %scan3A_281 step %scan3A_282  : i32 {
        %scan3A_344 = arith.constant 0 : i32
        %scan3A_345 = arith.constant 50 : i32
        %scan3A_346 = arith.addi %scan3A_344, %scan3A_345 : i32
        %scan3A_347 = arith.constant 5 : i32
        scf.for %scan3A_349 = %scan3A_344 to %scan3A_346 step %scan3A_347  : i32 {
          %mul3A_350 = arith.constant 50 : i32
          %mul3A_351 = arith.muli %scan3A_343, %mul3A_350 : i32
          %add3A_352 = arith.addi %mul3A_351, %scan3A_349 : i32
          %add3A_353 = arith.constant 0 : i32
          %add3A_354 = arith.addi %add3A_352, %add3A_353 : i32
          %get3A_355 = arith.index_cast %add3A_354 : i32 to index
          %get3A_356 = arith.constant 0 : index
          %get3A_357 = tpu.vector_load %arg11[%get3A_355, %get3A_356] {strides = array<i32>} : memref<656x32xf32, #tpu.memory_space<vmem>>, vector<16xf32>,
          %get3A_358 = arith.index_cast %add3A_354 : i32 to index
          %get3A_359 = arith.constant 16 : index
          %get3A_360 = tpu.vector_load %arg11[%get3A_358, %get3A_359] {strides = array<i32>} : memref<656x32xf32, #tpu.memory_space<vmem>>, vector<16xf32>,
          %mul3A_361 = arith.constant 1600 : i32
          %mul3A_362 = arith.muli %scan3A_343, %mul3A_361 : i32
          %add3A_363 = arith.addi %mul3A_362, %scan3A_349 : i32
          %add3A_364 = vector.broadcast %add3A_363 : i32 to vector<16xi32>
          %add3A_365 = arith.addi %mul3A_5, %add3A_364 : vector<16xi32>
          tpu.vector_store_idx %arg13[%add3A_365], %get3A_357 : memref<21104xf32, #tpu.memory_space<vmem>>[vector<16xi32>], vector<16xf32>,
          %add3A_366 = arith.constant 800 : i32
          %add3A_367 = vector.broadcast %add3A_366 : i32 to vector<16xi32>
          %add3A_368 = arith.addi %add3A_365, %add3A_367 : vector<16xi32>
          tpu.vector_store_idx %arg13[%add3A_368], %get3A_360 : memref<21104xf32, #tpu.memory_space<vmem>>[vector<16xi32>], vector<16xf32>,
          %scan3A_369 = arith.constant 1 : i32
          %scan3A_370 = arith.addi %scan3A_349, %scan3A_369 : i32
          %mul3A_371 = arith.constant 50 : i32
          %mul3A_372 = arith.muli %scan3A_343, %mul3A_371 : i32
          %add3A_373 = arith.addi %mul3A_372, %scan3A_370 : i32
          %add3A_374 = arith.constant 0 : i32
          %add3A_375 = arith.addi %add3A_373, %add3A_374 : i32
          %get3A_376 = arith.index_cast %add3A_375 : i32 to index
          %get3A_377 = arith.constant 0 : index
          %get3A_378 = tpu.vector_load %arg11[%get3A_376, %get3A_377] {strides = array<i32>} : memref<656x32xf32, #tpu.memory_space<vmem>>, vector<16xf32>,
          %get3A_379 = arith.index_cast %add3A_375 : i32 to index
          %get3A_380 = arith.constant 16 : index
          %get3A_381 = tpu.vector_load %arg11[%get3A_379, %get3A_380] {strides = array<i32>} : memref<656x32xf32, #tpu.memory_space<vmem>>, vector<16xf32>,
          %mul3A_382 = arith.constant 1600 : i32
          %mul3A_383 = arith.muli %scan3A_343, %mul3A_382 : i32
          %add3A_384 = arith.addi %mul3A_383, %scan3A_370 : i32
          %add3A_385 = vector.broadcast %add3A_384 : i32 to vector<16xi32>
          %add3A_386 = arith.addi %mul3A_5, %add3A_385 : vector<16xi32>
          tpu.vector_store_idx %arg13[%add3A_386], %get3A_378 : memref<21104xf32, #tpu.memory_space<vmem>>[vector<16xi32>], vector<16xf32>,
          %add3A_387 = arith.constant 800 : i32
          %add3A_388 = vector.broadcast %add3A_387 : i32 to vector<16xi32>
          %add3A_389 = arith.addi %add3A_386, %add3A_388 : vector<16xi32>
          tpu.vector_store_idx %arg13[%add3A_389], %get3A_381 : memref<21104xf32, #tpu.memory_space<vmem>>[vector<16xi32>], vector<16xf32>,
          %scan3A_390 = arith.constant 2 : i32
          %scan3A_391 = arith.addi %scan3A_349, %scan3A_390 : i32
          %mul3A_392 = arith.constant 50 : i32
          %mul3A_393 = arith.muli %scan3A_343, %mul3A_392 : i32
          %add3A_394 = arith.addi %mul3A_393, %scan3A_391 : i32
          %add3A_395 = arith.constant 0 : i32
          %add3A_396 = arith.addi %add3A_394, %add3A_395 : i32
          %get3A_397 = arith.index_cast %add3A_396 : i32 to index
          %get3A_398 = arith.constant 0 : index
          %get3A_399 = tpu.vector_load %arg11[%get3A_397, %get3A_398] {strides = array<i32>} : memref<656x32xf32, #tpu.memory_space<vmem>>, vector<16xf32>,
          %get3A_400 = arith.index_cast %add3A_396 : i32 to index
          %get3A_401 = arith.constant 16 : index
          %get3A_402 = tpu.vector_load %arg11[%get3A_400, %get3A_401] {strides = array<i32>} : memref<656x32xf32, #tpu.memory_space<vmem>>, vector<16xf32>,
          %mul3A_403 = arith.constant 1600 : i32
          %mul3A_404 = arith.muli %scan3A_343, %mul3A_403 : i32
          %add3A_405 = arith.addi %mul3A_404, %scan3A_391 : i32
          %add3A_406 = vector.broadcast %add3A_405 : i32 to vector<16xi32>
          %add3A_407 = arith.addi %mul3A_5, %add3A_406 : vector<16xi32>
          tpu.vector_store_idx %arg13[%add3A_407], %get3A_399 : memref<21104xf32, #tpu.memory_space<vmem>>[vector<16xi32>], vector<16xf32>,
          %add3A_408 = arith.constant 800 : i32
          %add3A_409 = vector.broadcast %add3A_408 : i32 to vector<16xi32>
          %add3A_410 = arith.addi %add3A_407, %add3A_409 : vector<16xi32>
          tpu.vector_store_idx %arg13[%add3A_410], %get3A_402 : memref<21104xf32, #tpu.memory_space<vmem>>[vector<16xi32>], vector<16xf32>,
          %scan3A_411 = arith.constant 3 : i32
          %scan3A_412 = arith.addi %scan3A_349, %scan3A_411 : i32
          %mul3A_413 = arith.constant 50 : i32
          %mul3A_414 = arith.muli %scan3A_343, %mul3A_413 : i32
          %add3A_415 = arith.addi %mul3A_414, %scan3A_412 : i32
          %add3A_416 = arith.constant 0 : i32
          %add3A_417 = arith.addi %add3A_415, %add3A_416 : i32
          %get3A_418 = arith.index_cast %add3A_417 : i32 to index
          %get3A_419 = arith.constant 0 : index
          %get3A_420 = tpu.vector_load %arg11[%get3A_418, %get3A_419] {strides = array<i32>} : memref<656x32xf32, #tpu.memory_space<vmem>>, vector<16xf32>,
          %get3A_421 = arith.index_cast %add3A_417 : i32 to index
          %get3A_422 = arith.constant 16 : index
          %get3A_423 = tpu.vector_load %arg11[%get3A_421, %get3A_422] {strides = array<i32>} : memref<656x32xf32, #tpu.memory_space<vmem>>, vector<16xf32>,
          %mul3A_424 = arith.constant 1600 : i32
          %mul3A_425 = arith.muli %scan3A_343, %mul3A_424 : i32
          %add3A_426 = arith.addi %mul3A_425, %scan3A_412 : i32
          %add3A_427 = vector.broadcast %add3A_426 : i32 to vector<16xi32>
          %add3A_428 = arith.addi %mul3A_5, %add3A_427 : vector<16xi32>
          tpu.vector_store_idx %arg13[%add3A_428], %get3A_420 : memref<21104xf32, #tpu.memory_space<vmem>>[vector<16xi32>], vector<16xf32>,
          %add3A_429 = arith.constant 800 : i32
          %add3A_430 = vector.broadcast %add3A_429 : i32 to vector<16xi32>
          %add3A_431 = arith.addi %add3A_428, %add3A_430 : vector<16xi32>
          tpu.vector_store_idx %arg13[%add3A_431], %get3A_423 : memref<21104xf32, #tpu.memory_space<vmem>>[vector<16xi32>], vector<16xf32>,
          %scan3A_432 = arith.constant 4 : i32
          %scan3A_433 = arith.addi %scan3A_349, %scan3A_432 : i32
          %mul3A_434 = arith.constant 50 : i32
          %mul3A_435 = arith.muli %scan3A_343, %mul3A_434 : i32
          %add3A_436 = arith.addi %mul3A_435, %scan3A_433 : i32
          %add3A_437 = arith.constant 0 : i32
          %add3A_438 = arith.addi %add3A_436, %add3A_437 : i32
          %get3A_439 = arith.index_cast %add3A_438 : i32 to index
          %get3A_440 = arith.constant 0 : index
          %get3A_441 = tpu.vector_load %arg11[%get3A_439, %get3A_440] {strides = array<i32>} : memref<656x32xf32, #tpu.memory_space<vmem>>, vector<16xf32>,
          %get3A_442 = arith.index_cast %add3A_438 : i32 to index
          %get3A_443 = arith.constant 16 : index
          %get3A_444 = tpu.vector_load %arg11[%get3A_442, %get3A_443] {strides = array<i32>} : memref<656x32xf32, #tpu.memory_space<vmem>>, vector<16xf32>,
          %mul3A_445 = arith.constant 1600 : i32
          %mul3A_446 = arith.muli %scan3A_343, %mul3A_445 : i32
          %add3A_447 = arith.addi %mul3A_446, %scan3A_433 : i32
          %add3A_448 = vector.broadcast %add3A_447 : i32 to vector<16xi32>
          %add3A_449 = arith.addi %mul3A_5, %add3A_448 : vector<16xi32>
          tpu.vector_store_idx %arg13[%add3A_449], %get3A_441 : memref<21104xf32, #tpu.memory_space<vmem>>[vector<16xi32>], vector<16xf32>,
          %add3A_450 = arith.constant 800 : i32
          %add3A_451 = vector.broadcast %add3A_450 : i32 to vector<16xi32>
          %add3A_452 = arith.addi %add3A_449, %add3A_451 : vector<16xi32>
          tpu.vector_store_idx %arg13[%add3A_452], %get3A_444 : memref<21104xf32, #tpu.memory_space<vmem>>[vector<16xi32>], vector<16xf32>,
        }
        %scan3A_348 = arith.constant 50 : i32
      }
      %scan3A_283 = arith.constant 13 : i32
      %dma_start3A_284 = arith.constant 0 : i32
      %dma_start3A_285 = tpu.memref_slice %arg13[%dma_start3A_284] : memref<21104xf32, #tpu.memory_space<vmem>> -> memref<20800xf32, #tpu.memory_space<vmem>>
      %dma_start3A_286 = arith.constant 0 : i32
      %dma_start3A_287 = tpu.memref_slice %arg5[%add3A_250, %dma_start3A_286] : memref<1024x41900xf32, #tpu.memory_space<hbm>> -> memref<1x20800xf32, #tpu.memory_space<hbm>>
      %dma_start3A_288 = tpu.memref_squeeze %dma_start3A_287 : memref<1x20800xf32, #tpu.memory_space<hbm>> -> memref<20800xf32, #tpu.memory_space<hbm>>
      %dma_start3A_289 = arith.constant 0 : i32
      %dma_start3A_290 = tpu.memref_slice %arg5[%add3A_250, %dma_start3A_289] : memref<1024x41900xf32, #tpu.memory_space<hbm>> -> memref<1x20800xf32, #tpu.memory_space<hbm>>
      %dma_start3A_291 = tpu.memref_squeeze %dma_start3A_290 : memref<1x20800xf32, #tpu.memory_space<hbm>> -> memref<20800xf32, #tpu.memory_space<hbm>>
      %dma_start3A_292 = arith.constant 0 : i32
      %dma_start3A_293 = tpu.memref_slice %arg13[%dma_start3A_292] : memref<21104xf32, #tpu.memory_space<vmem>> -> memref<20800xf32, #tpu.memory_space<vmem>>
      tpu.enqueue_dma source(%dma_start3A_293 : memref<20800xf32, #tpu.memory_space<vmem>>) target(%dma_start3A_291 : memref<20800xf32, #tpu.memory_space<hbm>>) target_semaphore(%arg18 : memref<!tpu.dma_semaphore, #tpu.memory_space<semaphore_mem>>)
      %lt3A_294 = arith.constant 15 : i32
      %lt3A_295 = arith.cmpi slt, %scan3A_104, %lt3A_294 : i32
      %convert_element_type3A_296 = arith.extui %lt3A_295 : i1 to i32
      %cond3A_297 = arith.constant 0 : i32
      %cond3A_298 = arith.cmpi ne, %convert_element_type3A_296, %cond3A_297 : i32
      scf.if %cond3A_298 {
        %dma_start3A_343 = arith.constant 0 : i32
        %dma_start3A_344 = tpu.memref_slice %arg9[%dma_start3A_343] : memref<1312xi32, #tpu.memory_space<vmem>> -> memref<656xi32, #tpu.memory_space<vmem>>
        %dma_start3A_345 = arith.constant 0 : i32
        %dma_start3A_346 = arith.constant 0 : i32
        %dma_start3A_347 = tpu.memref_slice %arg3[%dma_start3A_345, %dma_start3A_346] : memref<2600000x32xf32, #tpu.memory_space<hbm>> -> memref<2600000x32xf32, #tpu.memory_space<hbm>>
        tpu.enqueue_indirect_dma source(%dma_start3A_347 : memref<2600000x32xf32, #tpu.memory_space<hbm>>) target(%arg11 : memref<656x32xf32, #tpu.memory_space<vmem>>) offsets(%dma_start3A_344 : memref<656xi32, #tpu.memory_space<vmem>>) semaphore(%arg16 : memref<!tpu.dma_semaphore, #tpu.memory_space<semaphore_mem>>)
      } else {
      }
      %sub3A_299 = arith.constant 1 : i32
      %sub3A_300 = arith.subi %add3A_250, %sub3A_299 : i32
      %dma_wait3A_301 = arith.constant 0 : i32
      %dma_wait3A_302 = tpu.memref_slice %arg14[%dma_wait3A_301] : memref<21104xf32, #tpu.memory_space<vmem>> -> memref<21100xf32, #tpu.memory_space<vmem>>
      %dma_wait3A_303 = arith.constant 20800 : i32
      %dma_wait3A_304 = tpu.memref_slice %arg5[%sub3A_300, %dma_wait3A_303] : memref<1024x41900xf32, #tpu.memory_space<hbm>> -> memref<1x21100xf32, #tpu.memory_space<hbm>>
      %dma_wait3A_305 = tpu.memref_squeeze %dma_wait3A_304 : memref<1x21100xf32, #tpu.memory_space<hbm>> -> memref<21100xf32, #tpu.memory_space<hbm>>
      %dma_wait3A_306 = arith.constant 20800 : i32
      %dma_wait3A_307 = tpu.memref_slice %arg5[%sub3A_300, %dma_wait3A_306] : memref<1024x41900xf32, #tpu.memory_space<hbm>> -> memref<1x21100xf32, #tpu.memory_space<hbm>>
      %dma_wait3A_308 = tpu.memref_squeeze %dma_wait3A_307 : memref<1x21100xf32, #tpu.memory_space<hbm>> -> memref<21100xf32, #tpu.memory_space<hbm>>
      %dma_wait3A_309 = arith.constant 0 : i32
      %dma_wait3A_310 = tpu.memref_slice %arg14[%dma_wait3A_309] : memref<21104xf32, #tpu.memory_space<vmem>> -> memref<21100xf32, #tpu.memory_space<vmem>>
      tpu.wait_dma2 semaphore(%arg19 : memref<!tpu.dma_semaphore, #tpu.memory_space<semaphore_mem>>) src(%dma_wait3A_310 : memref<21100xf32, #tpu.memory_space<vmem>>) dst(%dma_wait3A_308 : memref<21100xf32, #tpu.memory_space<hbm>>)
      %scan3A_311 = arith.constant 0 : i32
      %scan3A_312 = arith.constant 0 : i32
      %scan3A_313 = arith.constant 19 : i32
      %scan3A_314 = arith.addi %scan3A_312, %scan3A_313 : i32
      %scan3A_315 = arith.constant 1 : i32
      scf.for %scan3A_343 = %scan3A_312 to %scan3A_314 step %scan3A_315  : i32 {
        %iota3A_344 = tpu.iota {dimensions = array<i32: 0>} : vector<16xi32>
        %mul3A_345 = arith.constant 16 : i32
        %mul3A_346 = arith.muli %scan3A_343, %mul3A_345 : i32
        %add3A_347 = arith.constant 1300 : i32
        %add3A_348 = arith.addi %add3A_347, %mul3A_346 : i32
        %add3A_349 = vector.broadcast %add3A_348 : i32 to vector<16xi32>
        %add3A_350 = arith.addi %iota3A_344, %add3A_349 : vector<16xi32>
        %gather3A = tpu.vector_load_idx %arg7[%add3A_350] : memref<1616xf32, #tpu.memory_space<vmem>>[vector<16xi32>], vector<16xf32>,
        %mul3A_351 = arith.constant 16 : i32
        %mul3A_352 = arith.muli %scan3A_343, %mul3A_351 : i32
        %add3A_353 = arith.constant 20800 : i32
        %add3A_354 = arith.addi %add3A_353, %mul3A_352 : i32
        %swap3A_355 = arith.index_cast %add3A_354 : i32 to index
        %swap3A_356 = tpu.vector_load %arg14[%swap3A_355] {strides = array<i32>} : memref<21104xf32, #tpu.memory_space<vmem>>, vector<16xf32>,
        tpu.vector_store %arg14[%swap3A_355], %gather3A {strides = array<i32>} : memref<21104xf32, #tpu.memory_space<vmem>>, vector<16xf32>,
      }
      %scan3A_316 = arith.constant 19 : i32
      %dma_wait3A_317 = arith.constant 648 : i32
      %dma_wait3A_318 = tpu.memref_slice %arg10[%dma_wait3A_317] : memref<1312xi32, #tpu.memory_space<vmem>> -> memref<656xi32, #tpu.memory_space<vmem>>
      %dma_wait3A_319 = arith.constant 0 : i32
      %dma_wait3A_320 = arith.constant 0 : i32
      %dma_wait3A_321 = tpu.memref_slice %arg3[%dma_wait3A_319, %dma_wait3A_320] : memref<2600000x32xf32, #tpu.memory_space<hbm>> -> memref<2600000x32xf32, #tpu.memory_space<hbm>>
      tpu.wait_indirect_dma semaphore(%arg17 : memref<!tpu.dma_semaphore, #tpu.memory_space<semaphore_mem>>) src(%dma_wait3A_321 : memref<2600000x32xf32, #tpu.memory_space<hbm>>) dst(%arg12 : memref<656x32xf32, #tpu.memory_space<vmem>>)
      %scan3A_322 = arith.constant 0 : i32
      %scan3A_323 = arith.constant 0 : i32
      %scan3A_324 = arith.constant 13 : i32
      %scan3A_325 = arith.addi %scan3A_323, %scan3A_324 : i32
      %scan3A_326 = arith.constant 1 : i32
      scf.for %scan3A_343 = %scan3A_323 to %scan3A_325 step %scan3A_326  : i32 {
        %scan3A_344 = arith.constant 0 : i32
        %scan3A_345 = arith.constant 50 : i32
        %scan3A_346 = arith.addi %scan3A_344, %scan3A_345 : i32
        %scan3A_347 = arith.constant 5 : i32
        scf.for %scan3A_349 = %scan3A_344 to %scan3A_346 step %scan3A_347  : i32 {
          %mul3A_350 = arith.constant 50 : i32
          %mul3A_351 = arith.muli %scan3A_343, %mul3A_350 : i32
          %add3A_352 = arith.addi %mul3A_351, %scan3A_349 : i32
          %add3A_353 = arith.constant 2 : i32
          %add3A_354 = arith.addi %add3A_352, %add3A_353 : i32
          %get3A_355 = arith.index_cast %add3A_354 : i32 to index
          %get3A_356 = arith.constant 0 : index
          %get3A_357 = tpu.vector_load %arg12[%get3A_355, %get3A_356] {strides = array<i32>} : memref<656x32xf32, #tpu.memory_space<vmem>>, vector<16xf32>,
          %get3A_358 = arith.index_cast %add3A_354 : i32 to index
          %get3A_359 = arith.constant 16 : index
          %get3A_360 = tpu.vector_load %arg12[%get3A_358, %get3A_359] {strides = array<i32>} : memref<656x32xf32, #tpu.memory_space<vmem>>, vector<16xf32>,
          %mul3A_361 = arith.constant 1600 : i32
          %mul3A_362 = arith.muli %scan3A_343, %mul3A_361 : i32
          %add3A_363 = arith.addi %mul3A_362, %scan3A_349 : i32
          %add3A_364 = vector.broadcast %add3A_363 : i32 to vector<16xi32>
          %add3A_365 = arith.addi %mul3A_5, %add3A_364 : vector<16xi32>
          tpu.vector_store_idx %arg14[%add3A_365], %get3A_357 : memref<21104xf32, #tpu.memory_space<vmem>>[vector<16xi32>], vector<16xf32>,
          %add3A_366 = arith.constant 800 : i32
          %add3A_367 = vector.broadcast %add3A_366 : i32 to vector<16xi32>
          %add3A_368 = arith.addi %add3A_365, %add3A_367 : vector<16xi32>
          tpu.vector_store_idx %arg14[%add3A_368], %get3A_360 : memref<21104xf32, #tpu.memory_space<vmem>>[vector<16xi32>], vector<16xf32>,
          %scan3A_369 = arith.constant 1 : i32
          %scan3A_370 = arith.addi %scan3A_349, %scan3A_369 : i32
          %mul3A_371 = arith.constant 50 : i32
          %mul3A_372 = arith.muli %scan3A_343, %mul3A_371 : i32
          %add3A_373 = arith.addi %mul3A_372, %scan3A_370 : i32
          %add3A_374 = arith.constant 2 : i32
          %add3A_375 = arith.addi %add3A_373, %add3A_374 : i32
          %get3A_376 = arith.index_cast %add3A_375 : i32 to index
          %get3A_377 = arith.constant 0 : index
          %get3A_378 = tpu.vector_load %arg12[%get3A_376, %get3A_377] {strides = array<i32>} : memref<656x32xf32, #tpu.memory_space<vmem>>, vector<16xf32>,
          %get3A_379 = arith.index_cast %add3A_375 : i32 to index
          %get3A_380 = arith.constant 16 : index
          %get3A_381 = tpu.vector_load %arg12[%get3A_379, %get3A_380] {strides = array<i32>} : memref<656x32xf32, #tpu.memory_space<vmem>>, vector<16xf32>,
          %mul3A_382 = arith.constant 1600 : i32
          %mul3A_383 = arith.muli %scan3A_343, %mul3A_382 : i32
          %add3A_384 = arith.addi %mul3A_383, %scan3A_370 : i32
          %add3A_385 = vector.broadcast %add3A_384 : i32 to vector<16xi32>
          %add3A_386 = arith.addi %mul3A_5, %add3A_385 : vector<16xi32>
          tpu.vector_store_idx %arg14[%add3A_386], %get3A_378 : memref<21104xf32, #tpu.memory_space<vmem>>[vector<16xi32>], vector<16xf32>,
          %add3A_387 = arith.constant 800 : i32
          %add3A_388 = vector.broadcast %add3A_387 : i32 to vector<16xi32>
          %add3A_389 = arith.addi %add3A_386, %add3A_388 : vector<16xi32>
          tpu.vector_store_idx %arg14[%add3A_389], %get3A_381 : memref<21104xf32, #tpu.memory_space<vmem>>[vector<16xi32>], vector<16xf32>,
          %scan3A_390 = arith.constant 2 : i32
          %scan3A_391 = arith.addi %scan3A_349, %scan3A_390 : i32
          %mul3A_392 = arith.constant 50 : i32
          %mul3A_393 = arith.muli %scan3A_343, %mul3A_392 : i32
          %add3A_394 = arith.addi %mul3A_393, %scan3A_391 : i32
          %add3A_395 = arith.constant 2 : i32
          %add3A_396 = arith.addi %add3A_394, %add3A_395 : i32
          %get3A_397 = arith.index_cast %add3A_396 : i32 to index
          %get3A_398 = arith.constant 0 : index
          %get3A_399 = tpu.vector_load %arg12[%get3A_397, %get3A_398] {strides = array<i32>} : memref<656x32xf32, #tpu.memory_space<vmem>>, vector<16xf32>,
          %get3A_400 = arith.index_cast %add3A_396 : i32 to index
          %get3A_401 = arith.constant 16 : index
          %get3A_402 = tpu.vector_load %arg12[%get3A_400, %get3A_401] {strides = array<i32>} : memref<656x32xf32, #tpu.memory_space<vmem>>, vector<16xf32>,
          %mul3A_403 = arith.constant 1600 : i32
          %mul3A_404 = arith.muli %scan3A_343, %mul3A_403 : i32
          %add3A_405 = arith.addi %mul3A_404, %scan3A_391 : i32
          %add3A_406 = vector.broadcast %add3A_405 : i32 to vector<16xi32>
          %add3A_407 = arith.addi %mul3A_5, %add3A_406 : vector<16xi32>
          tpu.vector_store_idx %arg14[%add3A_407], %get3A_399 : memref<21104xf32, #tpu.memory_space<vmem>>[vector<16xi32>], vector<16xf32>,
          %add3A_408 = arith.constant 800 : i32
          %add3A_409 = vector.broadcast %add3A_408 : i32 to vector<16xi32>
          %add3A_410 = arith.addi %add3A_407, %add3A_409 : vector<16xi32>
          tpu.vector_store_idx %arg14[%add3A_410], %get3A_402 : memref<21104xf32, #tpu.memory_space<vmem>>[vector<16xi32>], vector<16xf32>,
          %scan3A_411 = arith.constant 3 : i32
          %scan3A_412 = arith.addi %scan3A_349, %scan3A_411 : i32
          %mul3A_413 = arith.constant 50 : i32
          %mul3A_414 = arith.muli %scan3A_343, %mul3A_413 : i32
          %add3A_415 = arith.addi %mul3A_414, %scan3A_412 : i32
          %add3A_416 = arith.constant 2 : i32
          %add3A_417 = arith.addi %add3A_415, %add3A_416 : i32
          %get3A_418 = arith.index_cast %add3A_417 : i32 to index
          %get3A_419 = arith.constant 0 : index
          %get3A_420 = tpu.vector_load %arg12[%get3A_418, %get3A_419] {strides = array<i32>} : memref<656x32xf32, #tpu.memory_space<vmem>>, vector<16xf32>,
          %get3A_421 = arith.index_cast %add3A_417 : i32 to index
          %get3A_422 = arith.constant 16 : index
          %get3A_423 = tpu.vector_load %arg12[%get3A_421, %get3A_422] {strides = array<i32>} : memref<656x32xf32, #tpu.memory_space<vmem>>, vector<16xf32>,
          %mul3A_424 = arith.constant 1600 : i32
          %mul3A_425 = arith.muli %scan3A_343, %mul3A_424 : i32
          %add3A_426 = arith.addi %mul3A_425, %scan3A_412 : i32
          %add3A_427 = vector.broadcast %add3A_426 : i32 to vector<16xi32>
          %add3A_428 = arith.addi %mul3A_5, %add3A_427 : vector<16xi32>
          tpu.vector_store_idx %arg14[%add3A_428], %get3A_420 : memref<21104xf32, #tpu.memory_space<vmem>>[vector<16xi32>], vector<16xf32>,
          %add3A_429 = arith.constant 800 : i32
          %add3A_430 = vector.broadcast %add3A_429 : i32 to vector<16xi32>
          %add3A_431 = arith.addi %add3A_428, %add3A_430 : vector<16xi32>
          tpu.vector_store_idx %arg14[%add3A_431], %get3A_423 : memref<21104xf32, #tpu.memory_space<vmem>>[vector<16xi32>], vector<16xf32>,
          %scan3A_432 = arith.constant 4 : i32
          %scan3A_433 = arith.addi %scan3A_349, %scan3A_432 : i32
          %mul3A_434 = arith.constant 50 : i32
          %mul3A_435 = arith.muli %scan3A_343, %mul3A_434 : i32
          %add3A_436 = arith.addi %mul3A_435, %scan3A_433 : i32
          %add3A_437 = arith.constant 2 : i32
          %add3A_438 = arith.addi %add3A_436, %add3A_437 : i32
          %get3A_439 = arith.index_cast %add3A_438 : i32 to index
          %get3A_440 = arith.constant 0 : index
          %get3A_441 = tpu.vector_load %arg12[%get3A_439, %get3A_440] {strides = array<i32>} : memref<656x32xf32, #tpu.memory_space<vmem>>, vector<16xf32>,
          %get3A_442 = arith.index_cast %add3A_438 : i32 to index
          %get3A_443 = arith.constant 16 : index
          %get3A_444 = tpu.vector_load %arg12[%get3A_442, %get3A_443] {strides = array<i32>} : memref<656x32xf32, #tpu.memory_space<vmem>>, vector<16xf32>,
          %mul3A_445 = arith.constant 1600 : i32
          %mul3A_446 = arith.muli %scan3A_343, %mul3A_445 : i32
          %add3A_447 = arith.addi %mul3A_446, %scan3A_433 : i32
          %add3A_448 = vector.broadcast %add3A_447 : i32 to vector<16xi32>
          %add3A_449 = arith.addi %mul3A_5, %add3A_448 : vector<16xi32>
          tpu.vector_store_idx %arg14[%add3A_449], %get3A_441 : memref<21104xf32, #tpu.memory_space<vmem>>[vector<16xi32>], vector<16xf32>,
          %add3A_450 = arith.constant 800 : i32
          %add3A_451 = vector.broadcast %add3A_450 : i32 to vector<16xi32>
          %add3A_452 = arith.addi %add3A_449, %add3A_451 : vector<16xi32>
          tpu.vector_store_idx %arg14[%add3A_452], %get3A_444 : memref<21104xf32, #tpu.memory_space<vmem>>[vector<16xi32>], vector<16xf32>,
        }
        %scan3A_348 = arith.constant 50 : i32
      }
      %scan3A_327 = arith.constant 13 : i32
      %dma_start3A_328 = arith.constant 0 : i32
      %dma_start3A_329 = tpu.memref_slice %arg14[%dma_start3A_328] : memref<21104xf32, #tpu.memory_space<vmem>> -> memref<21100xf32, #tpu.memory_space<vmem>>
      %dma_start3A_330 = arith.constant 20800 : i32
      %dma_start3A_331 = tpu.memref_slice %arg5[%add3A_250, %dma_start3A_330] : memref<1024x41900xf32, #tpu.memory_space<hbm>> -> memref<1x21100xf32, #tpu.memory_space<hbm>>
      %dma_start3A_332 = tpu.memref_squeeze %dma_start3A_331 : memref<1x21100xf32, #tpu.memory_space<hbm>> -> memref<21100xf32, #tpu.memory_space<hbm>>
      %dma_start3A_333 = arith.constant 20800 : i32
      %dma_start3A_334 = tpu.memref_slice %arg5[%add3A_250, %dma_start3A_333] : memref<1024x41900xf32, #tpu.memory_space<hbm>> -> memref<1x21100xf32, #tpu.memory_space<hbm>>
      %dma_start3A_335 = tpu.memref_squeeze %dma_start3A_334 : memref<1x21100xf32, #tpu.memory_space<hbm>> -> memref<21100xf32, #tpu.memory_space<hbm>>
      %dma_start3A_336 = arith.constant 0 : i32
      %dma_start3A_337 = tpu.memref_slice %arg14[%dma_start3A_336] : memref<21104xf32, #tpu.memory_space<vmem>> -> memref<21100xf32, #tpu.memory_space<vmem>>
      tpu.enqueue_dma source(%dma_start3A_337 : memref<21100xf32, #tpu.memory_space<vmem>>) target(%dma_start3A_335 : memref<21100xf32, #tpu.memory_space<hbm>>) target_semaphore(%arg19 : memref<!tpu.dma_semaphore, #tpu.memory_space<semaphore_mem>>)
      %lt3A_338 = arith.constant 15 : i32
      %lt3A_339 = arith.cmpi slt, %scan3A_104, %lt3A_338 : i32
      %convert_element_type3A_340 = arith.extui %lt3A_339 : i1 to i32
      %cond3A_341 = arith.constant 0 : i32
      %cond3A_342 = arith.cmpi ne, %convert_element_type3A_340, %cond3A_341 : i32
      scf.if %cond3A_342 {
        %add3A_343 = arith.constant 2 : i32
        %add3A_344 = arith.addi %add3A_250, %add3A_343 : i32
        %dma_start3A_345 = arith.constant 0 : i32
        %dma_start3A_346 = tpu.memref_slice %arg7[%dma_start3A_345] : memref<1616xf32, #tpu.memory_space<vmem>> -> memref<1600xf32, #tpu.memory_space<vmem>>
        %dma_start3A_347 = arith.constant 0 : i32
        %dma_start3A_348 = tpu.memref_slice %arg2[%add3A_344, %dma_start3A_347] : memref<1024x1600xf32, #tpu.memory_space<hbm>> -> memref<1x1600xf32, #tpu.memory_space<hbm>>
        %dma_start3A_349 = tpu.memref_squeeze %dma_start3A_348 : memref<1x1600xf32, #tpu.memory_space<hbm>> -> memref<1600xf32, #tpu.memory_space<hbm>>
        %dma_start3A_350 = arith.constant 0 : i32
        %dma_start3A_351 = tpu.memref_slice %arg7[%dma_start3A_350] : memref<1616xf32, #tpu.memory_space<vmem>> -> memref<1600xf32, #tpu.memory_space<vmem>>
        %dma_start3A_352 = arith.constant 0 : i32
        %dma_start3A_353 = tpu.memref_slice %arg2[%add3A_344, %dma_start3A_352] : memref<1024x1600xf32, #tpu.memory_space<hbm>> -> memref<1x1600xf32, #tpu.memory_space<hbm>>
        %dma_start3A_354 = tpu.memref_squeeze %dma_start3A_353 : memref<1x1600xf32, #tpu.memory_space<hbm>> -> memref<1600xf32, #tpu.memory_space<hbm>>
        tpu.enqueue_dma source(%dma_start3A_354 : memref<1600xf32, #tpu.memory_space<hbm>>) target(%dma_start3A_351 : memref<1600xf32, #tpu.memory_space<vmem>>) target_semaphore(%arg15 : memref<!tpu.dma_semaphore, #tpu.memory_space<semaphore_mem>>)
      } else {
      }
    }
    %scan3A_77 = arith.constant 16 : i32
    %add3A_78 = arith.constant 32 : i32
    %add3A_79 = arith.addi %mul3A_2, %add3A_78 : i32
    %sub3A = arith.constant 1 : i32
    %sub3A_80 = arith.subi %add3A_79, %sub3A : i32
    %dma_wait3A = arith.constant 0 : i32
    %dma_wait3A_81 = tpu.memref_slice %arg13[%dma_wait3A] : memref<21104xf32, #tpu.memory_space<vmem>> -> memref<20800xf32, #tpu.memory_space<vmem>>
    %dma_wait3A_82 = arith.constant 0 : i32
    %dma_wait3A_83 = tpu.memref_slice %arg5[%sub3A_80, %dma_wait3A_82] : memref<1024x41900xf32, #tpu.memory_space<hbm>> -> memref<1x20800xf32, #tpu.memory_space<hbm>>
    %dma_wait3A_84 = tpu.memref_squeeze %dma_wait3A_83 : memref<1x20800xf32, #tpu.memory_space<hbm>> -> memref<20800xf32, #tpu.memory_space<hbm>>
    %dma_wait3A_85 = arith.constant 0 : i32
    %dma_wait3A_86 = tpu.memref_slice %arg5[%sub3A_80, %dma_wait3A_85] : memref<1024x41900xf32, #tpu.memory_space<hbm>> -> memref<1x20800xf32, #tpu.memory_space<hbm>>
    %dma_wait3A_87 = tpu.memref_squeeze %dma_wait3A_86 : memref<1x20800xf32, #tpu.memory_space<hbm>> -> memref<20800xf32, #tpu.memory_space<hbm>>
    %dma_wait3A_88 = arith.constant 0 : i32
    %dma_wait3A_89 = tpu.memref_slice %arg13[%dma_wait3A_88] : memref<21104xf32, #tpu.memory_space<vmem>> -> memref<20800xf32, #tpu.memory_space<vmem>>
    tpu.wait_dma2 semaphore(%arg18 : memref<!tpu.dma_semaphore, #tpu.memory_space<semaphore_mem>>) src(%dma_wait3A_89 : memref<20800xf32, #tpu.memory_space<vmem>>) dst(%dma_wait3A_87 : memref<20800xf32, #tpu.memory_space<hbm>>)
    %add3A_90 = arith.constant 32 : i32
    %add3A_91 = arith.addi %mul3A_2, %add3A_90 : i32
    %sub3A_92 = arith.constant 1 : i32
    %sub3A_93 = arith.subi %add3A_91, %sub3A_92 : i32
    %dma_wait3A_94 = arith.constant 0 : i32
    %dma_wait3A_95 = tpu.memref_slice %arg14[%dma_wait3A_94] : memref<21104xf32, #tpu.memory_space<vmem>> -> memref<21100xf32, #tpu.memory_space<vmem>>
    %dma_wait3A_96 = arith.constant 20800 : i32
    %dma_wait3A_97 = tpu.memref_slice %arg5[%sub3A_93, %dma_wait3A_96] : memref<1024x41900xf32, #tpu.memory_space<hbm>> -> memref<1x21100xf32, #tpu.memory_space<hbm>>
    %dma_wait3A_98 = tpu.memref_squeeze %dma_wait3A_97 : memref<1x21100xf32, #tpu.memory_space<hbm>> -> memref<21100xf32, #tpu.memory_space<hbm>>
    %dma_wait3A_99 = arith.constant 20800 : i32
    %dma_wait3A_100 = tpu.memref_slice %arg5[%sub3A_93, %dma_wait3A_99] : memref<1024x41900xf32, #tpu.memory_space<hbm>> -> memref<1x21100xf32, #tpu.memory_space<hbm>>
    %dma_wait3A_101 = tpu.memref_squeeze %dma_wait3A_100 : memref<1x21100xf32, #tpu.memory_space<hbm>> -> memref<21100xf32, #tpu.memory_space<hbm>>
    %dma_wait3A_102 = arith.constant 0 : i32
    %dma_wait3A_103 = tpu.memref_slice %arg14[%dma_wait3A_102] : memref<21104xf32, #tpu.memory_space<vmem>> -> memref<21100xf32, #tpu.memory_space<vmem>>
    tpu.wait_dma2 semaphore(%arg19 : memref<!tpu.dma_semaphore, #tpu.memory_space<semaphore_mem>>) src(%dma_wait3A_103 : memref<21100xf32, #tpu.memory_space<vmem>>) dst(%dma_wait3A_101 : memref<21100xf32, #tpu.memory_space<hbm>>)
    return
  }
}

</mosaic_0001>

<sc_bundles>
// kernel: _run.3.cloned.1.call-start
scs
__scs_entry_jumppad:
0x0: {  	(pc) =	sbr.rel $0x88, $3  }
0x1: {  	(tag) =	ssettag $0x0;
	lr =	simm.s32 $0x1  }
0x2: {  	[smem:$0x3F9E] =	sst lr;
	_ =	strace $0xD0000000  }
0x3: {  	_ = 	snop  }
0x4: {  	_ = 	snop  }
0x5: {  	_ = 	snop  }
0x6: {  	_ = 	snop  }
0x7: {  	_ = 	snop  }
__scs_overlays_trampoline_lowered:
0x8: {  	[smem:$0x3FAD] =	sst s0  }
0x9: {  	[smem:$0x3FAE] =	sst s1  }
0xa: {  	[smem:$0x3FAF] =	sst s2  }
0xb: {  	[smem:$0x3FB0] =	sst s3  }
0xc: {  	[smem:$0x3FB1] =	sst s4  }
0xd: {  	[smem:$0x3FB2] =	sst s5  }
0xe: {  	[smem:$0x3FB3] =	sst s6  }
0xf: {  	[smem:$0x3FB4] =	sst s7  }
0x10: {  	[smem:$0x3FB5] =	sst s8  }
0x11: {  	[smem:$0x3FB6] =	sst s9;
	s0 =	simm.s32 @!p0 $0x0  }
0x12: {  	s1 =	sld [smem:$0x3F9C];
	s0 =	simm.s32 @p0 $0x1  }
0x13: {  	[smem:$0x3FB7] =	sst s0;
	s0 =	simm.s32 @!p1 $0x0  }
0x14: {  	s2 =	sld [smem:$0x3F9B];
	s0 =	simm.s32 @p1 $0x1  }
0x15: {  	[smem:$0x3FB8] =	sst s0;
	s0 =	simm.s32 @!p2 $0x0  }
0x16: {  	s3 =	sld [smem:$0x3FDB];
	s0 =	simm.s32 @p2 $0x1  }
0x17: {  	s4 =	simm.s32 $0x1BF5;
	[smem:$0x3FBA] =	sst s0  }
0x18: {  	s0 =	sld [smem:$0x3F9D];
	_ =	swait.ge [sflag:s4], $0x0  }
0x19: {  	s7 =	sld [smem:$0x3F9E]  }
0x1a: {  	s8 =	sadd.s32 $0xFFFFE003, lr  }
0x1b: {  	s9 =	sadd.s32 $0xFFFFFEF7, lr;
	s5 =	simm.s32 $0xFFFFFFFF;
	p2 =	slt.u32 s8, $0xFFFFF086  }
0x1c: {  	p1 =	slt.u32 s9, $0xF7A;
	s5 =	simm.s32 @!p2 $0x0  }
0x1d: {  	s5 =	simm.s32 @p1 $0x1;
	p0 =	seq.s32 s7, s2  }
0x1e: {  	s7 =	smul.u32 @!p0 $0xF7A, s2;
	p2 =	seq.s32 @!p0 s5, $0x0  }
0x1f: {  	s9 =	smul.u32 $0xF7A, s1;
	s8 =	simm.s32 @!p0 $0x1BF5;
	p2 =	por !p2, p0  }
0x20: {  	[sflag:s8] =	ssyncset.s32 @!p0 $0xFFFFF086;
	s6 =	sadd.s32 @!p0 s3, s7;
	s7 =	simm.s32 @!p0 $0x108  }
0x21: {  	s3 =	sadd.s32 s3, s9;
	s6 =	sadd.s32 @!p0 $0x88, s6;
	s7 =	simm.s32 @p2 $0x1082  }
0x22: {  	[simem:s7], [sflag:s8] =	dma.local @!p0 [hbm:s6], $0xF7A  }
0x23: {  	s9 =	sor.u32 $0xD0000000, s2;
	s6 =	simm.s32 $0x108;
	_ =	swait.ge @!p0 [sflag:s8], $0x0  }
0x24: {  	s3 =	sadd.s32 $0x88, s3;
	s6 =	simm.s32 @!p1 $0x1082;
	[sflag:s4] =	ssyncset.s32 $0xFFFFF086  }
0x25: {  	[simem:s6], [sflag:s4] =	dma.local [hbm:s3], $0xF7A  }
0x26: {  	[smem:$0x3F9E] =	sst s1;
	(tag) =	ssettag s2;
	_ =	strace s9  }
0x27: {  	s1 =	sld [smem:$0x3FAE]  }
0x28: {  	s2 =	sld [smem:$0x3FAF]  }
0x29: {  	s4 =	sld [smem:$0x3FB1]  }
0x2a: {  	p0 =	seq.s32 s5, $0x0;
	s5 =	sld [smem:$0x3FB2]  }
0x2b: {  	s6 =	sld [smem:$0x3FB3]  }
0x2c: {  	s7 =	sld [smem:$0x3FB4]  }
0x2d: {  	s3 =	simm.s32 $0x108;
	s8 =	sld [smem:$0x3FB5]  }
0x2e: {  	s3 =	simm.s32 @!p0 $0x1082;
	s9 =	sld [smem:$0x3FB6]  }
0x2f: {  	lr =	sadd.s32 s0, s3;
	s0 =	sld [smem:$0x3FAD]  }
0x30: {  	s3 =	sld [smem:$0x3FB0]  }
0x31: {  	[smem:$0x3FB9] =	sst s10  }
0x32: {  	s10 =	sld [smem:$0x3FB7];
	_ =	sdelay $0x3  }
0x33: {  	p0 =	seq.s32 s10, $0x1;
	s10 =	sld [smem:$0x3FB9];
	_ =	sdelay $0x3  }
0x34: {  	[smem:$0x3FB9] =	sst s10  }
0x35: {  	s10 =	sld [smem:$0x3FB8];
	_ =	sdelay $0x3  }
0x36: {  	p1 =	seq.s32 s10, $0x1;
	s10 =	sld [smem:$0x3FB9];
	_ =	sdelay $0x3  }
0x37: {  	[smem:$0x3FB9] =	sst s10  }
0x38: {  	s10 =	sld [smem:$0x3FBA]  }
0x39: {  	_ = 	snop;
	(pc) =	sbr.ind lr, $3  }
0x3a: {  	_ = 	snop  }
0x3b: {  	_ = 	snop  }
0x3c: {  	p2 =	seq.s32 s10, $0x1;
	s10 =	sld [smem:$0x3FB9]  }
0x3d: {  	_ =	shalt  }
0x3e: {  	_ =	shalt  }
0x3f: {  	_ =	shalt  }
0x40: {  	_ =	shalt  }
0x41: {  	_ =	shalt  }
0x42: {  	_ =	shalt  }
0x43: {  	_ =	shalt  }
0x44: {  	_ =	shalt  }
0x45: {  	_ =	shalt  }
0x46: {  	_ =	shalt  }
0x47: {  	_ =	shalt  }
0x48: {  	_ =	shalt  }
0x49: {  	_ =	shalt  }
0x4a: {  	_ =	shalt  }
0x4b: {  	_ =	shalt  }
0x4c: {  	_ =	shalt  }
0x4d: {  	_ =	shalt  }
0x4e: {  	_ =	shalt  }
0x4f: {  	_ =	shalt  }
0x50: {  	_ =	shalt  }
0x51: {  	_ =	shalt  }
0x52: {  	_ =	shalt  }
0x53: {  	_ =	shalt  }
0x54: {  	_ =	shalt  }
0x55: {  	_ =	shalt  }
0x56: {  	_ =	shalt  }
0x57: {  	_ =	shalt  }
0x58: {  	_ =	shalt  }
0x59: {  	_ =	shalt  }
0x5a: {  	_ =	shalt  }
0x5b: {  	_ =	shalt  }
0x5c: {  	_ =	shalt  }
0x5d: {  	_ =	shalt  }
0x5e: {  	_ =	shalt  }
0x5f: {  	_ =	shalt  }
0x60: {  	_ =	shalt  }
0x61: {  	_ =	shalt  }
0x62: {  	_ =	shalt  }
0x63: {  	_ =	shalt  }
0x64: {  	_ =	shalt  }
0x65: {  	_ =	shalt  }
0x66: {  	_ =	shalt  }
0x67: {  	_ =	shalt  }
0x68: {  	_ =	shalt  }
0x69: {  	_ =	shalt  }
0x6a: {  	_ =	shalt  }
0x6b: {  	_ =	shalt  }
0x6c: {  	_ =	shalt  }
0x6d: {  	_ =	shalt  }
0x6e: {  	_ =	shalt  }
0x6f: {  	_ =	shalt  }
0x70: {  	_ =	shalt  }
0x71: {  	_ =	shalt  }
0x72: {  	_ =	shalt  }
0x73: {  	_ =	shalt  }
0x74: {  	_ =	shalt  }
0x75: {  	_ =	shalt  }
0x76: {  	_ =	shalt  }
0x77: {  	_ =	shalt  }
0x78: {  	_ =	shalt  }
0x79: {  	_ =	shalt  }
0x7a: {  	_ =	shalt  }
0x7b: {  	_ =	shalt  }
0x7c: {  	_ =	shalt  }
0x7d: {  	_ =	shalt  }
0x7e: {  	_ =	shalt  }
0x7f: {  	_ =	shalt  }
0x80: {  	_ =	shalt  }
0x81: {  	_ =	shalt  }
0x82: {  	_ =	shalt  }
0x83: {  	_ =	shalt  }
0x84: {  	_ =	shalt  }
0x85: {  	_ =	shalt  }
0x86: {  	_ =	shalt  }
0x87: {  	_ =	shalt  }
.Lfunc_end0:
.L_simem_size_0:
called_computation.1_lowered:
.L_overlay_start_0:
0x88: {  	s2 =	sld [smem:$0x3FD9]  }
0x89: {  	s3 =	sld [smem:$0x3FFE];
	_ =	sdelay $0x1  }
0x8a: {  	s1 =	srdreg.scid  }
0x8b: {  	s0 =	sand.u32 $0x1, s1  }
0x8c: {  	s17 =	sshll.u32 s0, $0xA;
	s2 =	sadd.s32 s3, s2  }
0x8d: {  	s2 =	sadd.s32 s2, s17  }
0x8e: {  	[smem:$0x3FC5] =	sst s2  }
0x8f: {  	_ = 	snop  }
0x90: {  	s2 =	sld [smem:$0x3FC7]  }
0x91: {  	s18 =	sld [smem:$0x3FD0];
	(tm) =	ssettm $0x1  }
0x92: {  	s4 =	sld [smem:$0x3FFB];
	_ =	sdelay $0x3  }
0x93: {  	_ =	strace s4  }
0x94: {  	s4 =	sld [smem:$0x3FFC];
	_ =	sdelay $0x3  }
0x95: {  	_ =	strace s4  }
0x96: {  	s4 =	sld [smem:$0x3FFD];
	_ =	sdelay $0x3  }
0x97: {  	_ =	strace s4  }
0x98: {  	_ =	strace $0x8FFFFFFF  }
0x99: {  	s19 =	sld [smem:$0x3FDB];
	_ =	sdelay $0x1  }
0x9a: {  	s5 =	simm.s32 $_scs_section_size  }
0x9b: {  	s6 =	simm.s32 $_size__tile_overlayer_lowered;
	s7 =	simm.s32 $_tile_overlayer_lowered  }
0x9c: {  	s22 =	simm.s32 $0x1BFF;
	s21 =	sshll.u32 s7, $0x1;
	s4 =	sadd.s32 s5, s19  }
0x9d: {  	s8 =	simm.s32 $0x0;
	s20 =	sshll.u32 s6, $0x1;
	s6 =	sadd.s32 s21, s4  }
0x9e: {  	[timem:s8], [sflag:s22] =	dma.local [hbm:s6], s20  }
0x9f: {  	_ =	swait.ge [sflag:s22], s20  }
0xa0: {  	s5 =	ssub.s32 $0x0, s20;
	[sflag:s22] =	ssyncset.done $0x0  }
0xa1: {  	[sflag:s22] =	ssyncadd.s32 s5;
	_ =	sdelay $0x1  }
0xa2: {  	s23 =	simm.s32 $0x1B8B  }
0xa3: {  	_ =	swait.ge [sflag:s23], $0x1  }
0xa4: {  	[sflag:s23] =	ssyncset.done $0x0  }
0xa5: {  	s25 =	simm.s32 $0x1B8E;
	s24 =	sld [smem:$0x3FFE];
	[sflag:s23] =	ssyncadd.s32 $0xFFFFFFFF  }
0xa6: {  	s26 =	simm.s32 $execute0_lowered;
	[smem:$0x3FD2] =	sst s25  }
0xa7: {  	s6 =	sshll.u32 s26, $0x1;
	_ =	strace $0x80000046;
	[dreg:$0x1] =	wrdreg $0xFFFFFFFF  }
0xa8: {  	s28 =	simm.s32 $_size_execute0_lowered;
	s4 =	sadd.s32 s4, s6;
	[dreg:$0x0] =	wrdreg $0x0  }
0xa9: {  	s6 =	sshll.u32 s28, $0x1;
	[dreg:$0x2] =	wrdreg s4  }
0xaa: {  	[dreg:$0x3] =	wrdreg s6  }
0xab: {  	[dreg:$0x4] =	wrdreg $0xC0  }
0xac: {  	_ =	task [dreg:s8], $0x5FFFF  }
0xad: {  	[dreg:$0x1] =	wrdreg $0xFFFFFFFF  }
0xae: {  	[dreg:$0x0] =	wrdreg $0x60  }
0xaf: {  	[dreg:$0x2] =	wrdreg s24  }
0xb0: {  	[dreg:$0x3] =	wrdreg s2  }
0xb1: {  	[dreg:$0x4] =	wrdreg s18  }
0xb2: {  	[dreg:$0x5] =	wrdreg $0x9  }
0xb3: {  	_ =	task.clear_ibuf [dreg:s8], $0x6FFFF;
	_ =	strace $0x90000046  }
0xb4: {  	s29 =	simm.s32 $0x9;
	_ =	strace $0x80000048  }
0xb5: {  	_ =	swait.ge [sflag:s29], $0x1  }
0xb6: {  	[sflag:s29] =	ssyncadd.s32 $0xFFFFFFFF  }
0xb7: {  	_ =	strace $0x90000048  }
0xb8: {  	_ =	sfence  }
0xb9: {  	s30 =	sld [smem:$0x0];
	_ =	sdelay $0x2  }
0xba: {  	s31 =	sshll.u32 s1, $0xD;
	s1 =	sshrl.u32 s1, $0x2  }
0xbb: {  	s3 =	sand.u32 $0x4000, s31;
	s1 =	sadd.s32 s1, s30  }
0xbc: {  	s0 =	sor.u32 s3, s0;
	s1 =	sshll.u32 s1, $0x11  }
0xbd: {  	s0 =	sor.u32 s1, s0  }
0xbe: {  	s0 =	sadd.s32 $0x8F2B, s0  }
0xbf: {  	[sflag:s0] =	ssyncadd.remote.s32 $0x1  }
0xc0: {  	_ =	sfence.sel $0xFFFF  }
0xc1: {  	[dreg:$0x0] =	wrdreg $0xFFFFFFFF;
	(pc) =	sbr.abs _section_cstart, $3  }
0xc2: {  	[dreg:$0x1] =	wrdreg $0xFFFFFFFF  }
0xc3: {  	_ =	task.clear_ibuf [dreg:s8], $0x2FFFF;
	_ =	strace $0x9FFFFFFF  }
0xc4: {  	(tm) =	ssettm $0x7FFFFFFF  }
0xc5: {  	_ =	shalt  }
tec
execute0_lowered:
.L_overlay_start_1:
0x0: {  	(tag) =	ssettag $0x1  }
0x1: {  	s0 =	rddreg [dreg:$0x0];
	s1 =	srdreg.scid  }
0x2: {  	s2 =	stileid.u32;
	s3 =	rddreg [dreg:$0x2]  }
0x3: {  	s4 =	simm.s32 $0x0;
	s14 =	simm.s32 $0x290;
	s16 =	simm.s32 $0x1C00  }
0x4: {  	s17 =	simm.s32 $0x650;
	s18 =	simm.s32 $0x1448;
	s19 =	simm.s32 $0x6E00  }
0x5: {  	s20 =	simm.s32 $0x1;
	s21 =	simm.s32 $0x2;
	s22 =	simm.s32 $0xC000  }
0x6: {  	s23 =	simm.s32 $0x16E0;
	s24 =	simm.s32 $0x3;
	s1 =	sand.u32 $0x1, s1  }
0x7: {  	s25 =	simm.s32 $0x11270;
	s2 =	sshll.u32 s2, $0x6;
	s5 =	sshll.u32 s1, $0x5  }
0x8: {  	s26 =	simm.s32 $0x1968;
	s1 =	ssub.s32 $0x2, s1;
	s5 =	sor.u32 s5, s2  }
0x9: {  	s28 =	simm.s32 $0x4;
	s8 =	sshrl.u32 s1, $0x1;
	s2 =	smul.u32 $0xC8, s5  }
.Ltmp0:
0xa: {  	[smem:$0x7FF] =	sst s4;
	s30 =	ssub.s32 s1, s8;
	(pc) =	sbr.rel .LBB2_1-.Ltmp0, $4  }
0xb: {  	v0 =	vlaneseq.u32;
	s6 =	sadd.s32 $0xA00, s0;
	s7 =	sadd.s32 $0x27ACE00, s0;
	s0 =	smax.u32 s30, $0x1  }
0xc: {  	v1 =	vmul.u32 $0x32, v0;
	_ =	strace $0x80000047;
	s31 =	sadd.s32 s6, s2;
	[dreg:$0x6] =	wrdreg s0  }
0xd: {  	s29 =	simm.s32 $0x5;
	[dreg:$0x4] =	wrdreg s31;
	s1 =	sadd.s32 $0xC8, s31  }
0xe: {  	v2 =	vadd.s32 $0x320, v1;
	s10 =	sor.u32 $0x1F, s5;
	[dreg:$0x5] =	wrdreg s1;
	s1 =	simm.s32 $0x0  }
.LBB2_33:
0xf: {  	_ =	swait.ge [sflag:s28], $0x5140  }
0x10: {  	[sflag:s28] =	ssyncset.done $0x0  }
0x11: {  	[sflag:s28] =	ssyncadd.s32 $0xFFFFAEC0  }
0x12: {  	_ =	swait.ge [sflag:s29], $0x526C  }
0x13: {  	s1 =	rddreg [dreg:$0x7]  }
0x14: {  	s0 =	rddreg [dreg:$0x6];
	s1 =	sadd.s32 $0x1, s1  }
0x15: {  	p0 =	sne.s32 s1, s0  }
.Ltmp1:
0x16: {  	_ = 	snop;
	(pc) =	sbr.rel @!p0 .LBB2_34-.Ltmp1, $3  }
0x17: {  	_ =	sdelay $0x1  }
0x18: {  	[sflag:s29] =	ssyncset.done $0x0  }
0x19: {  	[sflag:s29] =	ssyncadd.s32 $0xFFFFAD94  }
.LBB2_1:
0x1a: {  	[dreg:$0x7] =	wrdreg s1  }
0x1b: {  	s0 =	rddreg [dreg:$0x1];
	s15 =	simm.s32 $0xCA0;
	s30 =	simm.s32 $0x6  }
0x1c: {  	[tilespmem:s15], [sflag:$0x6] =	stream.linear.gather [hbm4b:s0+s4], $0x520, $0x38;
	[tilespmem:$0x164E0] =	vst v63  }
0x1d: {  	_ =	swait.ge [sflag:s30], $0x520  }
0x1e: {  	[sflag:s30] =	ssyncset.done $0x0  }
0x1f: {  	s31 =	rddreg [dreg:$0x4];
	[sflag:s30] =	ssyncadd.s32 $0xFFFFFAE0  }
0x20: {  	[tilespmem:s4], [sflag:$0x6] =	stream.linear.gather [hbm4b:s31+s4], $0x640, $0x38;
	[tilespmem:$0x164E0] =	vst v63  }
0x21: {  	_ =	swait.ge [sflag:s30], $0x640  }
0x22: {  	[sflag:s30] =	ssyncset.done $0x0  }
0x23: {  	s2 =	simm.s32 $0x20;
	[sflag:s30] =	ssyncadd.s32 $0xFFFFF9C0  }
0x24: {  	v3 =	vld [tilespmem:s2+$0xFFFFFFE0];
	_ =	sdelay $0x4  }
0x25: {  	v3 =	vadd.f32 $5.000000000e-01, v3;
	_ =	sdelay $0x1  }
0x26: {  	s0 =	simm.s32 $0xCC0;
	v3 =	vtrunc.f32 v3  }
0x27: {  	v4 =	vld [tilespmem:s0+$0xFFFFFFE0];
	v3 =	vcvt.f32.s32 v3;
	_ =	sdelay $0x1  }
0x28: {  	vm0 =	vgt.s32 v3, $0x0  }
0x29: {  	v3 =	vnsel vm0, $0x0, v3  }
0x2a: {  	v3 =	vmin.u32 v3, $0x1869F  }
0x2b: {  	s1 =	simm.s32 $0x11E0;
	v3 =	vadd.s32 v4, v3  }
0x2c: {  	[tilespmem:s1+$0xFFFFFFE0] =	vst v3  }
0x2d: {  	v3 =	vld [tilespmem:s2+$0xFFFFFFF0];
	_ =	sdelay $0x4  }
0x2e: {  	v3 =	vadd.f32 $5.000000000e-01, v3;
	_ =	sdelay $0x1  }
0x2f: {  	v3 =	vtrunc.f32 v3  }
0x30: {  	v61 =	vld [tilespmem:s0+$0xFFFFFFF0];
	v3 =	vcvt.f32.s32 v3;
	_ =	sdelay $0x1  }
0x31: {  	vm13 =	vgt.s32 v3, $0x0  }
0x32: {  	v3 =	vnsel vm13, $0x0, v3  }
0x33: {  	v3 =	vmin.u32 v3, $0x1869F  }
0x34: {  	v3 =	vadd.s32 v61, v3  }
0x35: {  	[tilespmem:s1+$0xFFFFFFF0] =	vst v3  }
0x36: {  	v3 =	vld [tilespmem:s2+$0x0];
	_ =	sdelay $0x4  }
0x37: {  	v3 =	vadd.f32 $5.000000000e-01, v3;
	_ =	sdelay $0x1  }
0x38: {  	v3 =	vtrunc.f32 v3  }
0x39: {  	v62 =	vld [tilespmem:s0+$0x0];
	v3 =	vcvt.f32.s32 v3;
	_ =	sdelay $0x1  }
0x3a: {  	vm14 =	vgt.s32 v3, $0x0  }
0x3b: {  	v3 =	vnsel vm14, $0x0, v3  }
0x3c: {  	v3 =	vmin.u32 v3, $0x1869F  }
0x3d: {  	v3 =	vadd.s32 v62, v3  }
0x3e: {  	[tilespmem:s1+$0x0] =	vst v3  }
0x3f: {  	v3 =	vld [tilespmem:s2+$0x10];
	_ =	sdelay $0x4  }
0x40: {  	v3 =	vadd.f32 $5.000000000e-01, v3;
	_ =	sdelay $0x1  }
0x41: {  	v3 =	vtrunc.f32 v3  }
0x42: {  	v63 =	vld [tilespmem:s0+$0x10];
	v3 =	vcvt.f32.s32 v3;
	_ =	sdelay $0x1  }
0x43: {  	vm15 =	vgt.s32 v3, $0x0  }
0x44: {  	v3 =	vnsel vm15, $0x0, v3  }
0x45: {  	v3 =	vmin.u32 v3, $0x1869F  }
0x46: {  	v3 =	vadd.s32 v63, v3  }
0x47: {  	s12 =	simm.s32 $0x60;
	s2 =	simm.s32 $0x0;
	[tilespmem:s1+$0x10] =	vst v3  }
.LBB2_2:
0x48: {  	v3 =	vld [tilespmem:s12+$0xFFFFFFE0];
	s2 =	sadd.s32 $0x4, s2;
	s0 =	sadd.s32 $0x40, s0  }
0x49: {  	v4 =	vld [tilespmem:s0+$0xFFFFFFE0];
	p0 =	slt.u32 s2, $0x4C;
	_ =	sdelay $0x3  }
0x4a: {  	v3 =	vadd.f32 $5.000000000e-01, v3;
	_ =	sdelay $0x1  }
0x4b: {  	v3 =	vtrunc.f32 v3  }
0x4c: {  	v3 =	vcvt.f32.s32 v3;
	_ =	sdelay $0x1  }
0x4d: {  	vm0 =	vgt.s32 v3, $0x0  }
0x4e: {  	v3 =	vnsel vm0, $0x0, v3  }
0x4f: {  	v3 =	vmin.u32 v3, $0x1869F  }
0x50: {  	s1 =	sadd.s32 $0x40, s1;
	v3 =	vadd.s32 v4, v3  }
0x51: {  	[tilespmem:s1+$0xFFFFFFE0] =	vst v3  }
0x52: {  	v3 =	vld [tilespmem:s12+$0xFFFFFFF0];
	_ =	sdelay $0x4  }
0x53: {  	v3 =	vadd.f32 $5.000000000e-01, v3;
	_ =	sdelay $0x1  }
0x54: {  	v3 =	vtrunc.f32 v3  }
0x55: {  	v3 =	vcvt.f32.s32 v3;
	v4 =	vld [tilespmem:s0+$0xFFFFFFF0];
	_ =	sdelay $0x1  }
0x56: {  	vm0 =	vgt.s32 v3, $0x0  }
0x57: {  	v3 =	vnsel vm0, $0x0, v3  }
0x58: {  	v3 =	vmin.u32 v3, $0x1869F  }
0x59: {  	v3 =	vadd.s32 v4, v3  }
0x5a: {  	[tilespmem:s1+$0xFFFFFFF0] =	vst v3  }
0x5b: {  	v3 =	vld [tilespmem:s12+$0x0];
	_ =	sdelay $0x4  }
0x5c: {  	v3 =	vadd.f32 $5.000000000e-01, v3;
	_ =	sdelay $0x1  }
0x5d: {  	v3 =	vtrunc.f32 v3  }
0x5e: {  	v3 =	vcvt.f32.s32 v3;
	v4 =	vld [tilespmem:s0+$0x0];
	_ =	sdelay $0x1  }
0x5f: {  	vm0 =	vgt.s32 v3, $0x0  }
0x60: {  	v3 =	vnsel vm0, $0x0, v3  }
0x61: {  	v3 =	vmin.u32 v3, $0x1869F  }
0x62: {  	v3 =	vadd.s32 v4, v3  }
0x63: {  	[tilespmem:s1+$0x0] =	vst v3  }
0x64: {  	v3 =	vld [tilespmem:s12+$0x10]  }
0x65: {  	v4 =	vld [tilespmem:s0+$0x10];
	_ =	sdelay $0x3  }
0x66: {  	v3 =	vadd.f32 $5.000000000e-01, v3;
	_ =	sdelay $0x1  }
0x67: {  	v3 =	vtrunc.f32 v3  }
0x68: {  	v3 =	vcvt.f32.s32 v3;
	_ =	sdelay $0x1  }
.Ltmp2:
0x69: {  	vm0 =	vgt.s32 v3, $0x0;
	(pc) =	sbr.rel @p0 .LBB2_2-.Ltmp2, $4  }
0x6a: {  	v3 =	vnsel vm0, $0x0, v3  }
0x6b: {  	v3 =	vmin.u32 v3, $0x1869F  }
0x6c: {  	v3 =	vadd.s32 v4, v3  }
0x6d: {  	s12 =	sadd.s32 $0x40, s12;
	[tilespmem:s1+$0x10] =	vst v3  }
0x6e: {  	v3 =	vld [tilespmem:$0x500]  }
0x6f: {  	v4 =	vld [tilespmem:$0x510];
	_ =	sdelay $0x3  }
0x70: {  	v3 =	vadd.f32 $5.000000000e-01, v3  }
0x71: {  	v4 =	vadd.f32 $5.000000000e-01, v4  }
0x72: {  	v3 =	vtrunc.f32 v3  }
0x73: {  	v5 =	vld [tilespmem:$0x11A0];
	v4 =	vtrunc.f32 v4;
	v3 =	vcvt.f32.s32 v3  }
0x74: {  	v6 =	vld [tilespmem:$0x11B0];
	v4 =	vcvt.f32.s32 v4  }
0x75: {  	vm0 =	vgt.s32 v3, $0x0  }
0x76: {  	vm15 =	vgt.s32 v4, $0x0;
	v3 =	vnsel vm0, $0x0, v3  }
0x77: {  	v4 =	vnsel vm15, $0x0, v4;
	v3 =	vmin.u32 v3, $0x1869F  }
0x78: {  	v4 =	vmin.u32 v4, $0x1869F;
	v3 =	vadd.s32 v5, v3  }
0x79: {  	[tilespmem:$0x16C0] =	vst v3;
	v3 =	vadd.s32 v6, v4  }
0x7a: {  	s0 =	simm.s32 $0x11C0;
	[tilespmem:$0x16D0] =	vst v3  }
0x7b: {  	[tilespmem:s16], [sflag:$0x2] =	stream.indirect.gather [hbm4b:s7+s14], $0x20, s0, s14, $0xb8;
	[tilespmem:$0x164E0] =	vst v63  }
0x7c: {  	s31 =	simm.s32 $0x0;
	s30 =	rddreg [dreg:$0x5]  }
0x7d: {  	[tilespmem:s17], [sflag:$0x1] =	stream.linear.gather [hbm4b:s30+s31], $0x640, $0x38;
	[tilespmem:$0x164E0] =	vst v63  }
.LBB2_4:
0x7e: {  	[tilespmem:s19], [sflag:$0x3] =	stream.indirect.gather [hbm4b:s7+s14], $0x20, s18, s14, $0xb8;
	[tilespmem:$0x164E0] =	vst v63  }
0x7f: {  	_ =	swait.ge [sflag:s20], $0x640  }
0x80: {  	[sflag:s20] =	ssyncset.done $0x0  }
0x81: {  	s2 =	simm.s32 $0x670;
	[sflag:s20] =	ssyncadd.s32 $0xFFFFF9C0  }
0x82: {  	v3 =	vld [tilespmem:s2+$0xFFFFFFE0];
	_ =	sdelay $0x4  }
0x83: {  	v3 =	vadd.f32 $5.000000000e-01, v3;
	_ =	sdelay $0x1  }
0x84: {  	s0 =	simm.s32 $0xCC0;
	v3 =	vtrunc.f32 v3  }
0x85: {  	v4 =	vld [tilespmem:s0+$0xFFFFFFE0];
	v3 =	vcvt.f32.s32 v3;
	_ =	sdelay $0x1  }
0x86: {  	vm0 =	vgt.s32 v3, $0x0  }
0x87: {  	v3 =	vnsel vm0, $0x0, v3  }
0x88: {  	v3 =	vmin.u32 v3, $0x1869F  }
0x89: {  	s1 =	simm.s32 $0x1700;
	v3 =	vadd.s32 v4, v3  }
0x8a: {  	[tilespmem:s1+$0xFFFFFFE0] =	vst v3  }
0x8b: {  	v3 =	vld [tilespmem:s2+$0xFFFFFFF0];
	_ =	sdelay $0x4  }
0x8c: {  	v3 =	vadd.f32 $5.000000000e-01, v3;
	_ =	sdelay $0x1  }
0x8d: {  	v3 =	vtrunc.f32 v3  }
0x8e: {  	v61 =	vld [tilespmem:s0+$0xFFFFFFF0];
	v3 =	vcvt.f32.s32 v3;
	_ =	sdelay $0x1  }
0x8f: {  	vm13 =	vgt.s32 v3, $0x0  }
0x90: {  	v3 =	vnsel vm13, $0x0, v3  }
0x91: {  	v3 =	vmin.u32 v3, $0x1869F  }
0x92: {  	v3 =	vadd.s32 v61, v3  }
0x93: {  	[tilespmem:s1+$0xFFFFFFF0] =	vst v3  }
0x94: {  	v3 =	vld [tilespmem:s2+$0x0];
	_ =	sdelay $0x4  }
0x95: {  	v3 =	vadd.f32 $5.000000000e-01, v3;
	_ =	sdelay $0x1  }
0x96: {  	v3 =	vtrunc.f32 v3  }
0x97: {  	v62 =	vld [tilespmem:s0+$0x0];
	v3 =	vcvt.f32.s32 v3;
	_ =	sdelay $0x1  }
0x98: {  	vm14 =	vgt.s32 v3, $0x0  }
0x99: {  	v3 =	vnsel vm14, $0x0, v3  }
0x9a: {  	v3 =	vmin.u32 v3, $0x1869F  }
0x9b: {  	v3 =	vadd.s32 v62, v3  }
0x9c: {  	[tilespmem:s1+$0x0] =	vst v3  }
0x9d: {  	v3 =	vld [tilespmem:s2+$0x10];
	_ =	sdelay $0x4  }
0x9e: {  	v3 =	vadd.f32 $5.000000000e-01, v3;
	_ =	sdelay $0x1  }
0x9f: {  	v3 =	vtrunc.f32 v3  }
0xa0: {  	v63 =	vld [tilespmem:s0+$0x10];
	v3 =	vcvt.f32.s32 v3;
	_ =	sdelay $0x1  }
0xa1: {  	vm15 =	vgt.s32 v3, $0x0  }
0xa2: {  	v3 =	vnsel vm15, $0x0, v3  }
0xa3: {  	v3 =	vmin.u32 v3, $0x1869F  }
0xa4: {  	v3 =	vadd.s32 v63, v3  }
0xa5: {  	s12 =	simm.s32 $0x6B0;
	s2 =	simm.s32 $0x0;
	[tilespmem:s1+$0x10] =	vst v3  }
.LBB2_5:
0xa6: {  	v3 =	vld [tilespmem:s12+$0xFFFFFFE0];
	s2 =	sadd.s32 $0x4, s2;
	s0 =	sadd.s32 $0x40, s0  }
0xa7: {  	v4 =	vld [tilespmem:s0+$0xFFFFFFE0];
	p0 =	slt.u32 s2, $0x4C;
	_ =	sdelay $0x3  }
0xa8: {  	v3 =	vadd.f32 $5.000000000e-01, v3;
	_ =	sdelay $0x1  }
0xa9: {  	v3 =	vtrunc.f32 v3  }
0xaa: {  	v3 =	vcvt.f32.s32 v3;
	_ =	sdelay $0x1  }
0xab: {  	vm0 =	vgt.s32 v3, $0x0  }
0xac: {  	v3 =	vnsel vm0, $0x0, v3  }
0xad: {  	v3 =	vmin.u32 v3, $0x1869F  }
0xae: {  	s1 =	sadd.s32 $0x40, s1;
	v3 =	vadd.s32 v4, v3  }
0xaf: {  	[tilespmem:s1+$0xFFFFFFE0] =	vst v3  }
0xb0: {  	v3 =	vld [tilespmem:s12+$0xFFFFFFF0];
	_ =	sdelay $0x4  }
0xb1: {  	v3 =	vadd.f32 $5.000000000e-01, v3;
	_ =	sdelay $0x1  }
0xb2: {  	v3 =	vtrunc.f32 v3  }
0xb3: {  	v3 =	vcvt.f32.s32 v3;
	v4 =	vld [tilespmem:s0+$0xFFFFFFF0];
	_ =	sdelay $0x1  }
0xb4: {  	vm0 =	vgt.s32 v3, $0x0  }
0xb5: {  	v3 =	vnsel vm0, $0x0, v3  }
0xb6: {  	v3 =	vmin.u32 v3, $0x1869F  }
0xb7: {  	v3 =	vadd.s32 v4, v3  }
0xb8: {  	[tilespmem:s1+$0xFFFFFFF0] =	vst v3  }
0xb9: {  	v3 =	vld [tilespmem:s12+$0x0];
	_ =	sdelay $0x4  }
0xba: {  	v3 =	vadd.f32 $5.000000000e-01, v3;
	_ =	sdelay $0x1  }
0xbb: {  	v3 =	vtrunc.f32 v3  }
0xbc: {  	v3 =	vcvt.f32.s32 v3;
	v4 =	vld [tilespmem:s0+$0x0];
	_ =	sdelay $0x1  }
0xbd: {  	vm0 =	vgt.s32 v3, $0x0  }
0xbe: {  	v3 =	vnsel vm0, $0x0, v3  }
0xbf: {  	v3 =	vmin.u32 v3, $0x1869F  }
0xc0: {  	v3 =	vadd.s32 v4, v3  }
0xc1: {  	[tilespmem:s1+$0x0] =	vst v3  }
0xc2: {  	v3 =	vld [tilespmem:s12+$0x10]  }
0xc3: {  	v4 =	vld [tilespmem:s0+$0x10];
	_ =	sdelay $0x3  }
0xc4: {  	v3 =	vadd.f32 $5.000000000e-01, v3;
	_ =	sdelay $0x1  }
0xc5: {  	v3 =	vtrunc.f32 v3  }
0xc6: {  	v3 =	vcvt.f32.s32 v3;
	_ =	sdelay $0x1  }
.Ltmp3:
0xc7: {  	vm0 =	vgt.s32 v3, $0x0;
	(pc) =	sbr.rel @p0 .LBB2_5-.Ltmp3, $4  }
0xc8: {  	v3 =	vnsel vm0, $0x0, v3  }
0xc9: {  	v3 =	vmin.u32 v3, $0x1869F  }
0xca: {  	v3 =	vadd.s32 v4, v3  }
0xcb: {  	s12 =	sadd.s32 $0x40, s12;
	[tilespmem:s1+$0x10] =	vst v3  }
0xcc: {  	v3 =	vld [tilespmem:$0xB50]  }
0xcd: {  	v4 =	vld [tilespmem:$0xB60];
	_ =	sdelay $0x3  }
0xce: {  	v3 =	vadd.f32 $5.000000000e-01, v3  }
0xcf: {  	v4 =	vadd.f32 $5.000000000e-01, v4  }
0xd0: {  	v3 =	vtrunc.f32 v3  }
0xd1: {  	v5 =	vld [tilespmem:$0x11A0];
	v4 =	vtrunc.f32 v4;
	v3 =	vcvt.f32.s32 v3  }
0xd2: {  	v6 =	vld [tilespmem:$0x11B0];
	v4 =	vcvt.f32.s32 v4  }
0xd3: {  	vm0 =	vgt.s32 v3, $0x0  }
0xd4: {  	vm15 =	vgt.s32 v4, $0x0;
	v3 =	vnsel vm0, $0x0, v3  }
0xd5: {  	v4 =	vnsel vm15, $0x0, v4;
	v3 =	vmin.u32 v3, $0x1869F  }
0xd6: {  	v4 =	vmin.u32 v4, $0x1869F;
	v3 =	vadd.s32 v5, v3  }
0xd7: {  	[tilespmem:$0x1BE0] =	vst v3;
	v3 =	vadd.s32 v6, v4  }
0xd8: {  	[tilespmem:$0x1BF0] =	vst v3  }
0xd9: {  	_ =	swait.ge [sflag:s21], $0x5200  }
0xda: {  	p0 =	seq.s32 s31, $0x0;
	[sflag:s21] =	ssyncset.done $0x0  }
0xdb: {  	s0 =	simm.s32 @!p0 $0x4;
	[sflag:s21] =	ssyncadd.s32 $0xFFFFAE00  }
0xdc: {  	s1 =	sshll.u32 s31, $0x1;
	_ =	swait.ge @!p0 [sflag:s0], $0x5140  }
0xdd: {  	s2 =	simm.s32 $0x1C50;
	s12 =	simm.s32 $0x0;
	[sflag:s0] =	ssyncset.done @!p0 $0x0  }
0xde: {  	s1 =	sor.u32 s5, s1;
	[sflag:s0] =	ssyncadd.s32 @!p0 $0xFFFFAEC0;
	s0 =	simm.s32 $0x0  }
.LBB2_7:
0xdf: {  	s8 =	sadd.s32 $0xFFFFFFFB, s0  }
0xe0: {  	s9 =	sadd.s32 $0x5, s8  }
0xe1: {  	v3 =	vld [tilespmem:s2+$0xFFFFFFB0];
	v4 =	vadd.s32 s9, v1  }
0xe2: {  	v5 =	vld [tilespmem:s2+$0xFFFFFFC0];
	v6 =	vadd.s32 s9, v2;
	_ =	sdelay $0x3  }
0xe3: {  	[tilespmem:v4+s22+$0x0] =	vst.idx.msk $0xffff, v3  }
0xe4: {  	s13 =	sadd.s32 $0x6, s8;
	[tilespmem:v6+s22+$0x0] =	vst.idx.msk $0xffff, v5  }
0xe5: {  	v4 =	vadd.s32 s13, v1;
	v3 =	vld [tilespmem:s2+$0xFFFFFFD0]  }
0xe6: {  	v6 =	vadd.s32 s13, v2;
	v5 =	vld [tilespmem:s2+$0xFFFFFFE0];
	_ =	sdelay $0x3  }
0xe7: {  	[tilespmem:v4+s22+$0x0] =	vst.idx.msk $0xffff, v3  }
0xe8: {  	s15 =	sadd.s32 $0x7, s8;
	[tilespmem:v6+s22+$0x0] =	vst.idx.msk $0xffff, v5  }
0xe9: {  	v4 =	vadd.s32 s15, v1;
	v3 =	vld [tilespmem:s2+$0xFFFFFFF0]  }
0xea: {  	v6 =	vadd.s32 s15, v2;
	v5 =	vld [tilespmem:s2+$0x0];
	_ =	sdelay $0x3  }
0xeb: {  	[tilespmem:v4+s22+$0x0] =	vst.idx.msk $0xffff, v3  }
0xec: {  	s30 =	sadd.s32 $0x8, s8;
	[tilespmem:v6+s22+$0x0] =	vst.idx.msk $0xffff, v5  }
0xed: {  	v4 =	vadd.s32 s30, v1;
	v3 =	vld [tilespmem:s2+$0x10]  }
0xee: {  	v6 =	vadd.s32 s30, v2;
	v5 =	vld [tilespmem:s2+$0x20];
	_ =	sdelay $0x3  }
0xef: {  	[tilespmem:v4+s22+$0x0] =	vst.idx.msk $0xffff, v3  }
0xf0: {  	s8 =	sadd.s32 $0x9, s8;
	[tilespmem:v6+s22+$0x0] =	vst.idx.msk $0xffff, v5  }
0xf1: {  	v6 =	vadd.s32 s8, v1;
	v5 =	vld [tilespmem:s2+$0x30];
	_ =	sdelay $0x1  }
0xf2: {  	v4 =	vadd.s32 s8, v2;
	v3 =	vld [tilespmem:s2+$0x40];
	_ =	sdelay $0x2  }
0xf3: {  	s11 =	smov.u32 s2;
	s9 =	simm.s32 $0x5;
	s15 =	sadd.s32 $0x0, s0;
	[tilespmem:v6+s22+$0x0] =	vst.idx.msk $0xffff, v5  }
.LBB2_8:
0xf4: {  	s13 =	sadd.s32 $0x5, s15  }
0xf5: {  	[tilespmem:v4+s22+$0x0] =	vst.idx.msk $0xffff, v3;
	s11 =	sadd.s32 $0xA0, s11;
	s8 =	smov.u32 s9;
	s9 =	sadd.s32 $0x5, s9  }
0xf6: {  	p1 =	slt.u32 s9, $0x2D;
	v3 =	vld [tilespmem:s11+$0xFFFFFFB0];
	v4 =	vadd.s32 s13, v1  }
0xf7: {  	v6 =	vadd.s32 s13, v2;
	v5 =	vld [tilespmem:s11+$0xFFFFFFC0];
	_ =	sdelay $0x3  }
0xf8: {  	[tilespmem:v4+s22+$0x0] =	vst.idx.msk $0xffff, v3  }
0xf9: {  	s13 =	sadd.s32 $0x6, s15;
	[tilespmem:v6+s22+$0x0] =	vst.idx.msk $0xffff, v5  }
0xfa: {  	v4 =	vadd.s32 s13, v1;
	v3 =	vld [tilespmem:s11+$0xFFFFFFD0]  }
0xfb: {  	v6 =	vadd.s32 s13, v2;
	v5 =	vld [tilespmem:s11+$0xFFFFFFE0];
	_ =	sdelay $0x3  }
0xfc: {  	[tilespmem:v4+s22+$0x0] =	vst.idx.msk $0xffff, v3  }
0xfd: {  	s13 =	sadd.s32 $0x7, s15;
	[tilespmem:v6+s22+$0x0] =	vst.idx.msk $0xffff, v5  }
0xfe: {  	v4 =	vadd.s32 s13, v1;
	v3 =	vld [tilespmem:s11+$0xFFFFFFF0]  }
0xff: {  	v6 =	vadd.s32 s13, v2;
	v5 =	vld [tilespmem:s11+$0x0];
	_ =	sdelay $0x3  }
0x100: {  	[tilespmem:v4+s22+$0x0] =	vst.idx.msk $0xffff, v3  }
0x101: {  	s13 =	sadd.s32 $0x8, s15;
	[tilespmem:v6+s22+$0x0] =	vst.idx.msk $0xffff, v5  }
0x102: {  	v4 =	vadd.s32 s13, v1;
	v3 =	vld [tilespmem:s11+$0x10]  }
0x103: {  	v6 =	vadd.s32 s13, v2;
	v5 =	vld [tilespmem:s11+$0x20];
	_ =	sdelay $0x3  }
0x104: {  	[tilespmem:v4+s22+$0x0] =	vst.idx.msk $0xffff, v3  }
0x105: {  	s13 =	sadd.s32 $0x9, s15;
	[tilespmem:v6+s22+$0x0] =	vst.idx.msk $0xffff, v5  }
0x106: {  	v6 =	vadd.s32 s13, v1;
	v5 =	vld [tilespmem:s11+$0x30]  }
.Ltmp4:
0x107: {  	v4 =	vadd.s32 s13, v2;
	v3 =	vld [tilespmem:s11+$0x40];
	(pc) =	sbr.rel @p1 .LBB2_8-.Ltmp4, $2  }
0x108: {  	_ =	sdelay $0x2  }
0x109: {  	s15 =	sadd.s32 s8, s0;
	[tilespmem:v6+s22+$0x0] =	vst.idx.msk $0xffff, v5  }
0x10a: {  	_ =	sdelay $0x3  }
0x10b: {  	s8 =	sadd.s32 $0x5, s15;
	[tilespmem:v4+s22+$0x0] =	vst.idx.msk $0xffff, v3;
	s9 =	sadd.s32 $0xA0, s11  }
0x10c: {  	v3 =	vld [tilespmem:s9+$0xFFFFFFB0];
	v55 =	vadd.s32 s8, v1  }
0x10d: {  	v5 =	vld [tilespmem:s9+$0xFFFFFFC0];
	v6 =	vadd.s32 s8, v2;
	_ =	sdelay $0x3  }
0x10e: {  	[tilespmem:v55+s22+$0x0] =	vst.idx.msk $0xffff, v3  }
0x10f: {  	s30 =	sadd.s32 $0x6, s15;
	[tilespmem:v6+s22+$0x0] =	vst.idx.msk $0xffff, v5  }
0x110: {  	v56 =	vadd.s32 s30, v1;
	v3 =	vld [tilespmem:s9+$0xFFFFFFD0]  }
0x111: {  	v57 =	vadd.s32 s30, v2;
	v5 =	vld [tilespmem:s9+$0xFFFFFFE0];
	_ =	sdelay $0x3  }
0x112: {  	[tilespmem:v56+s22+$0x0] =	vst.idx.msk $0xffff, v3  }
0x113: {  	s11 =	sadd.s32 $0x7, s15;
	[tilespmem:v57+s22+$0x0] =	vst.idx.msk $0xffff, v5  }
0x114: {  	v58 =	vadd.s32 s11, v1;
	v3 =	vld [tilespmem:s9+$0xFFFFFFF0]  }
0x115: {  	v59 =	vadd.s32 s11, v2;
	v5 =	vld [tilespmem:s9+$0x0];
	_ =	sdelay $0x3  }
0x116: {  	[tilespmem:v58+s22+$0x0] =	vst.idx.msk $0xffff, v3  }
0x117: {  	s13 =	sadd.s32 $0x8, s15;
	[tilespmem:v59+s22+$0x0] =	vst.idx.msk $0xffff, v5  }
0x118: {  	v60 =	vadd.s32 s13, v1;
	v3 =	vld [tilespmem:s9+$0x10]  }
0x119: {  	v61 =	vadd.s32 s13, v2;
	v5 =	vld [tilespmem:s9+$0x20];
	_ =	sdelay $0x3  }
0x11a: {  	[tilespmem:v60+s22+$0x0] =	vst.idx.msk $0xffff, v3  }
0x11b: {  	s30 =	sadd.s32 $0x9, s15;
	[tilespmem:v61+s22+$0x0] =	vst.idx.msk $0xffff, v5  }
0x11c: {  	s12 =	sadd.s32 $0x1, s12;
	v62 =	vadd.s32 s30, v1;
	v3 =	vld [tilespmem:s9+$0x30]  }
0x11d: {  	p1 =	sne.s32 s12, $0xD;
	v63 =	vadd.s32 s30, v2;
	v5 =	vld [tilespmem:s9+$0x40]  }
.Ltmp5:
0x11e: {  	_ = 	snop;
	(pc) =	sbr.rel @p1 .LBB2_7-.Ltmp5, $3  }
0x11f: {  	_ =	sdelay $0x1  }
0x120: {  	[tilespmem:v62+s22+$0x0] =	vst.idx.msk $0xffff, v3  }
0x121: {  	s0 =	sadd.s32 $0x640, s0;
	s2 =	sadd.s32 $0x640, s2;
	[tilespmem:v63+s22+$0x0] =	vst.idx.msk $0xffff, v5  }
0x122: {  	s0 =	smul.u32 $0xA3B0, s1;
	_ =	sdelay $0x1  }
0x123: {  	s0 =	sshrl.u32 s0, $0x3  }
0x124: {  	s2 =	simm.s32 $0x514;
	s0 =	sadd.s32 s3, s0  }
0x125: {  	[hbm4b:s0+s4] =	stream.linear.scatter [tilespmem:s22], [sflag:$0x4], $0x5140, $0x38;
	[tilespmem:$0x164E0] =	vst v63  }
0x126: {  	v3 =	vadd.s32 s2, v0;
	s2 =	simm.s32 @!p0 $0x5  }
0x127: {  	[tilespmem:s16], [sflag:$0x2] =	stream.indirect.gather [hbm4b:s7+s14], $0x20, s23, s14, $0xb8;
	[tilespmem:$0x164E0] =	vst v63  }
0x128: {  	_ =	swait.ge @!p0 [sflag:s2], $0x526C  }
0x129: {  	[sflag:s2] =	ssyncset.done @!p0 $0x0  }
0x12a: {  	[sflag:s2] =	ssyncadd.s32 @!p0 $0xFFFFAD94  }
0x12b: {  	s30 =	simm.s32 $0x524;
	v3 =	vld.idx.msk [tilespmem:v3+s4+$0x0], $0xffff  }
0x12c: {  	v4 =	vadd.s32 s30, v0;
	_ =	sdelay $0x2  }
0x12d: {  	s2 =	simm.s32 $0x163B0  }
0x12e: {  	[tilespmem:s2+$0x0] =	vst v3  }
0x12f: {  	s8 =	simm.s32 $0x534;
	v3 =	vld.idx.msk [tilespmem:v4+s4+$0x0], $0xffff  }
0x130: {  	v4 =	vadd.s32 s8, v0;
	s8 =	simm.s32 $0x544  }
.LBB2_11:
0x131: {  	p0 =	sne.s32 s8, $0x634;
	_ =	sdelay $0x1  }
.Ltmp6:
0x132: {  	s2 =	sadd.s32 $0x10, s2;
	(pc) =	sbr.rel @p0 .LBB2_11-.Ltmp6, $3  }
0x133: {  	[tilespmem:s2+$0x0] =	vst v3  }
0x134: {  	v3 =	vld.idx.msk [tilespmem:v4+s4+$0x0], $0xffff;
	_ =	sdelay $0x1  }
0x135: {  	v4 =	vadd.s32 s8, v0;
	s8 =	sadd.s32 $0x10, s8  }
0x136: {  	_ =	sdelay $0x1  }
0x137: {  	s2 =	sadd.s32 $0x10, s2  }
0x138: {  	[tilespmem:s2+$0x0] =	vst v3  }
0x139: {  	v3 =	vld.idx.msk [tilespmem:v4+s4+$0x0], $0xffff;
	_ =	sdelay $0x3  }
0x13a: {  	s2 =	sadd.s32 $0x10, s2  }
0x13b: {  	[tilespmem:s2+$0x0] =	vst v3  }
0x13c: {  	_ =	swait.ge [sflag:s24], $0x5200  }
0x13d: {  	s8 =	simm.s32 $0x6E70;
	[sflag:s24] =	ssyncset.done $0x0  }
0x13e: {  	s15 =	simm.s32 $0x0;
	s2 =	simm.s32 $0x0;
	[sflag:s24] =	ssyncadd.s32 $0xFFFFAE00  }
.LBB2_13:
0x13f: {  	s9 =	sadd.s32 $0xFFFFFFFB, s2  }
0x140: {  	s11 =	sadd.s32 $0x5, s9  }
0x141: {  	v3 =	vld [tilespmem:s8+$0xFFFFFFD0];
	v4 =	vadd.s32 s11, v1  }
0x142: {  	v5 =	vld [tilespmem:s8+$0xFFFFFFE0];
	v6 =	vadd.s32 s11, v2;
	_ =	sdelay $0x3  }
0x143: {  	[tilespmem:v4+s25+$0x0] =	vst.idx.msk $0xffff, v3  }
0x144: {  	s12 =	sadd.s32 $0x6, s9;
	[tilespmem:v6+s25+$0x0] =	vst.idx.msk $0xffff, v5  }
0x145: {  	v4 =	vadd.s32 s12, v1;
	v3 =	vld [tilespmem:s8+$0xFFFFFFF0]  }
0x146: {  	v6 =	vadd.s32 s12, v2;
	v5 =	vld [tilespmem:s8+$0x0];
	_ =	sdelay $0x3  }
0x147: {  	[tilespmem:v4+s25+$0x0] =	vst.idx.msk $0xffff, v3  }
0x148: {  	s13 =	sadd.s32 $0x7, s9;
	[tilespmem:v6+s25+$0x0] =	vst.idx.msk $0xffff, v5  }
0x149: {  	v4 =	vadd.s32 s13, v1;
	v3 =	vld [tilespmem:s8+$0x10]  }
0x14a: {  	v6 =	vadd.s32 s13, v2;
	v5 =	vld [tilespmem:s8+$0x20];
	_ =	sdelay $0x3  }
0x14b: {  	[tilespmem:v4+s25+$0x0] =	vst.idx.msk $0xffff, v3  }
0x14c: {  	s30 =	sadd.s32 $0x8, s9;
	[tilespmem:v6+s25+$0x0] =	vst.idx.msk $0xffff, v5  }
0x14d: {  	v4 =	vadd.s32 s30, v1;
	v3 =	vld [tilespmem:s8+$0x30]  }
0x14e: {  	v6 =	vadd.s32 s30, v2;
	v5 =	vld [tilespmem:s8+$0x40];
	_ =	sdelay $0x3  }
0x14f: {  	[tilespmem:v4+s25+$0x0] =	vst.idx.msk $0xffff, v3  }
0x150: {  	s9 =	sadd.s32 $0x9, s9;
	[tilespmem:v6+s25+$0x0] =	vst.idx.msk $0xffff, v5  }
0x151: {  	v6 =	vadd.s32 s9, v1;
	v5 =	vld [tilespmem:s8+$0x50];
	_ =	sdelay $0x1  }
0x152: {  	v4 =	vadd.s32 s9, v2;
	v3 =	vld [tilespmem:s8+$0x60];
	_ =	sdelay $0x2  }
0x153: {  	s11 =	simm.s32 $0x5;
	s12 =	smov.u32 s8;
	s9 =	sadd.s32 $0x0, s2;
	[tilespmem:v6+s25+$0x0] =	vst.idx.msk $0xffff, v5  }
.LBB2_14:
0x154: {  	s30 =	sadd.s32 $0x5, s9  }
0x155: {  	[tilespmem:v4+s25+$0x0] =	vst.idx.msk $0xffff, v3;
	s12 =	sadd.s32 $0xA0, s12;
	s13 =	smov.u32 s11;
	s11 =	sadd.s32 $0x5, s11  }
0x156: {  	p0 =	slt.u32 s11, $0x2D;
	v3 =	vld [tilespmem:s12+$0xFFFFFFD0];
	v4 =	vadd.s32 s30, v1  }
0x157: {  	v6 =	vadd.s32 s30, v2;
	v5 =	vld [tilespmem:s12+$0xFFFFFFE0];
	_ =	sdelay $0x3  }
0x158: {  	[tilespmem:v4+s25+$0x0] =	vst.idx.msk $0xffff, v3  }
0x159: {  	s30 =	sadd.s32 $0x6, s9;
	[tilespmem:v6+s25+$0x0] =	vst.idx.msk $0xffff, v5  }
0x15a: {  	v4 =	vadd.s32 s30, v1;
	v3 =	vld [tilespmem:s12+$0xFFFFFFF0]  }
0x15b: {  	v6 =	vadd.s32 s30, v2;
	v5 =	vld [tilespmem:s12+$0x0];
	_ =	sdelay $0x3  }
0x15c: {  	[tilespmem:v4+s25+$0x0] =	vst.idx.msk $0xffff, v3  }
0x15d: {  	s30 =	sadd.s32 $0x7, s9;
	[tilespmem:v6+s25+$0x0] =	vst.idx.msk $0xffff, v5  }
0x15e: {  	v4 =	vadd.s32 s30, v1;
	v3 =	vld [tilespmem:s12+$0x10]  }
0x15f: {  	v6 =	vadd.s32 s30, v2;
	v5 =	vld [tilespmem:s12+$0x20];
	_ =	sdelay $0x3  }
0x160: {  	[tilespmem:v4+s25+$0x0] =	vst.idx.msk $0xffff, v3  }
0x161: {  	s30 =	sadd.s32 $0x8, s9;
	[tilespmem:v6+s25+$0x0] =	vst.idx.msk $0xffff, v5  }
0x162: {  	v4 =	vadd.s32 s30, v1;
	v3 =	vld [tilespmem:s12+$0x30]  }
0x163: {  	v6 =	vadd.s32 s30, v2;
	v5 =	vld [tilespmem:s12+$0x40];
	_ =	sdelay $0x3  }
0x164: {  	[tilespmem:v4+s25+$0x0] =	vst.idx.msk $0xffff, v3  }
0x165: {  	s9 =	sadd.s32 $0x9, s9;
	[tilespmem:v6+s25+$0x0] =	vst.idx.msk $0xffff, v5  }
0x166: {  	v6 =	vadd.s32 s9, v1;
	v5 =	vld [tilespmem:s12+$0x50]  }
.Ltmp7:
0x167: {  	v4 =	vadd.s32 s9, v2;
	v3 =	vld [tilespmem:s12+$0x60];
	(pc) =	sbr.rel @p0 .LBB2_14-.Ltmp7, $2  }
0x168: {  	_ =	sdelay $0x2  }
0x169: {  	s9 =	sadd.s32 s13, s2;
	[tilespmem:v6+s25+$0x0] =	vst.idx.msk $0xffff, v5  }
0x16a: {  	_ =	sdelay $0x3  }
0x16b: {  	s11 =	sadd.s32 $0x5, s9;
	[tilespmem:v4+s25+$0x0] =	vst.idx.msk $0xffff, v3;
	s12 =	sadd.s32 $0xA0, s12  }
0x16c: {  	v3 =	vld [tilespmem:s12+$0xFFFFFFD0];
	v55 =	vadd.s32 s11, v1  }
0x16d: {  	v5 =	vld [tilespmem:s12+$0xFFFFFFE0];
	v6 =	vadd.s32 s11, v2;
	_ =	sdelay $0x3  }
0x16e: {  	[tilespmem:v55+s25+$0x0] =	vst.idx.msk $0xffff, v3  }
0x16f: {  	s13 =	sadd.s32 $0x6, s9;
	[tilespmem:v6+s25+$0x0] =	vst.idx.msk $0xffff, v5  }
0x170: {  	v56 =	vadd.s32 s13, v1;
	v3 =	vld [tilespmem:s12+$0xFFFFFFF0]  }
0x171: {  	v57 =	vadd.s32 s13, v2;
	v5 =	vld [tilespmem:s12+$0x0];
	_ =	sdelay $0x3  }
0x172: {  	[tilespmem:v56+s25+$0x0] =	vst.idx.msk $0xffff, v3  }
0x173: {  	s30 =	sadd.s32 $0x7, s9;
	[tilespmem:v57+s25+$0x0] =	vst.idx.msk $0xffff, v5  }
0x174: {  	v58 =	vadd.s32 s30, v1;
	v3 =	vld [tilespmem:s12+$0x10]  }
0x175: {  	v59 =	vadd.s32 s30, v2;
	v5 =	vld [tilespmem:s12+$0x20];
	_ =	sdelay $0x3  }
0x176: {  	[tilespmem:v58+s25+$0x0] =	vst.idx.msk $0xffff, v3  }
0x177: {  	s13 =	sadd.s32 $0x8, s9;
	[tilespmem:v59+s25+$0x0] =	vst.idx.msk $0xffff, v5  }
0x178: {  	v60 =	vadd.s32 s13, v1;
	v3 =	vld [tilespmem:s12+$0x30]  }
0x179: {  	v61 =	vadd.s32 s13, v2;
	v5 =	vld [tilespmem:s12+$0x40];
	_ =	sdelay $0x3  }
0x17a: {  	[tilespmem:v60+s25+$0x0] =	vst.idx.msk $0xffff, v3  }
0x17b: {  	s30 =	sadd.s32 $0x9, s9;
	[tilespmem:v61+s25+$0x0] =	vst.idx.msk $0xffff, v5  }
0x17c: {  	s15 =	sadd.s32 $0x1, s15;
	v62 =	vadd.s32 s30, v1;
	v3 =	vld [tilespmem:s12+$0x50]  }
0x17d: {  	p0 =	sne.s32 s15, $0xD;
	v63 =	vadd.s32 s30, v2;
	v5 =	vld [tilespmem:s12+$0x60]  }
.Ltmp8:
0x17e: {  	_ = 	snop;
	(pc) =	sbr.rel @p0 .LBB2_13-.Ltmp8, $3  }
0x17f: {  	_ =	sdelay $0x1  }
0x180: {  	[tilespmem:v62+s25+$0x0] =	vst.idx.msk $0xffff, v3  }
0x181: {  	s2 =	sadd.s32 $0x640, s2;
	s8 =	sadd.s32 $0x640, s8;
	[tilespmem:v63+s25+$0x0] =	vst.idx.msk $0xffff, v5  }
0x182: {  	p0 =	sne.s32 s31, $0xF  }
.Ltmp9:
0x183: {  	_ = 	snop;
	(pc) =	sbr.rel @p0 .LBB2_18-.Ltmp9, $3  }
0x184: {  	_ =	sdelay $0x1  }
0x185: {  	s0 =	sadd.s32 $0xA28, s0  }
0x186: {  	[hbm4b:s0+s4] =	stream.linear.scatter [tilespmem:s25], [sflag:$0x5], $0x526C, $0x38;
	[tilespmem:$0x164E0] =	vst v63  }
.Ltmp10:
0x187: {  	(pc) =	sbr.rel .LBB2_21-.Ltmp10, $3  }
0x188: {  	_ =	sdelay $0x1  }
0x189: {  	[tilespmem:s19], [sflag:$0x3] =	stream.indirect.gather [hbm4b:s7+s14], $0x20, s26, s14, $0xb8;
	[tilespmem:$0x164E0] =	vst v63  }
0x18a: {  	s1 =	smov.u32 s10  }
.LBB2_18:
0x18b: {  	s0 =	smul.u32 $0x640, s1;
	_ =	sdelay $0x1  }
0x18c: {  	s0 =	sshrl.u32 s0, $0x3  }
0x18d: {  	s0 =	sadd.s32 s6, s0  }
0x18e: {  	s0 =	sadd.s32 $0x190, s0  }
0x18f: {  	[tilespmem:s4], [sflag:$0x1] =	stream.linear.gather [hbm4b:s0+s4], $0x640, $0x38;
	[tilespmem:$0x164E0] =	vst v63  }
0x190: {  	_ = 	snop  }
0x191: {  	[tilespmem:s19], [sflag:$0x3] =	stream.indirect.gather [hbm4b:s7+s14], $0x20, s26, s14, $0xb8;
	[tilespmem:$0x164E0] =	vst v63  }
0x192: {  	_ =	swait.ge [sflag:s20], $0x640  }
0x193: {  	[sflag:s20] =	ssyncset.done $0x0  }
0x194: {  	s8 =	simm.s32 $0x20;
	[sflag:s20] =	ssyncadd.s32 $0xFFFFF9C0  }
0x195: {  	v3 =	vld [tilespmem:s8+$0xFFFFFFE0];
	_ =	sdelay $0x4  }
0x196: {  	v3 =	vadd.f32 $5.000000000e-01, v3;
	_ =	sdelay $0x1  }
0x197: {  	s0 =	simm.s32 $0xCC0;
	v3 =	vtrunc.f32 v3  }
0x198: {  	v4 =	vld [tilespmem:s0+$0xFFFFFFE0];
	v3 =	vcvt.f32.s32 v3;
	_ =	sdelay $0x1  }
0x199: {  	vm0 =	vgt.s32 v3, $0x0  }
0x19a: {  	v3 =	vnsel vm0, $0x0, v3  }
0x19b: {  	v3 =	vmin.u32 v3, $0x1869F  }
0x19c: {  	s2 =	simm.s32 $0x11E0;
	v3 =	vadd.s32 v4, v3  }
0x19d: {  	[tilespmem:s2+$0xFFFFFFE0] =	vst v3  }
0x19e: {  	v3 =	vld [tilespmem:s8+$0xFFFFFFF0];
	_ =	sdelay $0x4  }
0x19f: {  	v3 =	vadd.f32 $5.000000000e-01, v3;
	_ =	sdelay $0x1  }
0x1a0: {  	v3 =	vtrunc.f32 v3  }
0x1a1: {  	v61 =	vld [tilespmem:s0+$0xFFFFFFF0];
	v3 =	vcvt.f32.s32 v3;
	_ =	sdelay $0x1  }
0x1a2: {  	vm13 =	vgt.s32 v3, $0x0  }
0x1a3: {  	v3 =	vnsel vm13, $0x0, v3  }
0x1a4: {  	v3 =	vmin.u32 v3, $0x1869F  }
0x1a5: {  	v3 =	vadd.s32 v61, v3  }
0x1a6: {  	[tilespmem:s2+$0xFFFFFFF0] =	vst v3  }
0x1a7: {  	v3 =	vld [tilespmem:s8+$0x0];
	_ =	sdelay $0x4  }
0x1a8: {  	v3 =	vadd.f32 $5.000000000e-01, v3;
	_ =	sdelay $0x1  }
0x1a9: {  	v3 =	vtrunc.f32 v3  }
0x1aa: {  	v62 =	vld [tilespmem:s0+$0x0];
	v3 =	vcvt.f32.s32 v3;
	_ =	sdelay $0x1  }
0x1ab: {  	vm14 =	vgt.s32 v3, $0x0  }
0x1ac: {  	v3 =	vnsel vm14, $0x0, v3  }
0x1ad: {  	v3 =	vmin.u32 v3, $0x1869F  }
0x1ae: {  	v3 =	vadd.s32 v62, v3  }
0x1af: {  	[tilespmem:s2+$0x0] =	vst v3  }
0x1b0: {  	v3 =	vld [tilespmem:s8+$0x10];
	_ =	sdelay $0x4  }
0x1b1: {  	v3 =	vadd.f32 $5.000000000e-01, v3;
	_ =	sdelay $0x1  }
0x1b2: {  	v3 =	vtrunc.f32 v3  }
0x1b3: {  	v63 =	vld [tilespmem:s0+$0x10];
	v3 =	vcvt.f32.s32 v3;
	_ =	sdelay $0x1  }
0x1b4: {  	vm15 =	vgt.s32 v3, $0x0  }
0x1b5: {  	v3 =	vnsel vm15, $0x0, v3  }
0x1b6: {  	v3 =	vmin.u32 v3, $0x1869F  }
0x1b7: {  	v3 =	vadd.s32 v63, v3  }
0x1b8: {  	s12 =	simm.s32 $0x0;
	s15 =	simm.s32 $0x60;
	[tilespmem:s2+$0x10] =	vst v3  }
.LBB2_19:
0x1b9: {  	v3 =	vld [tilespmem:s15+$0xFFFFFFE0];
	s12 =	sadd.s32 $0x4, s12;
	s0 =	sadd.s32 $0x40, s0  }
0x1ba: {  	v4 =	vld [tilespmem:s0+$0xFFFFFFE0];
	p0 =	slt.u32 s12, $0x4C;
	_ =	sdelay $0x3  }
0x1bb: {  	v3 =	vadd.f32 $5.000000000e-01, v3;
	_ =	sdelay $0x1  }
0x1bc: {  	v3 =	vtrunc.f32 v3  }
0x1bd: {  	v3 =	vcvt.f32.s32 v3;
	_ =	sdelay $0x1  }
0x1be: {  	vm0 =	vgt.s32 v3, $0x0  }
0x1bf: {  	v3 =	vnsel vm0, $0x0, v3  }
0x1c0: {  	v3 =	vmin.u32 v3, $0x1869F  }
0x1c1: {  	s2 =	sadd.s32 $0x40, s2;
	v3 =	vadd.s32 v4, v3  }
0x1c2: {  	[tilespmem:s2+$0xFFFFFFE0] =	vst v3  }
0x1c3: {  	v3 =	vld [tilespmem:s15+$0xFFFFFFF0];
	_ =	sdelay $0x4  }
0x1c4: {  	v3 =	vadd.f32 $5.000000000e-01, v3;
	_ =	sdelay $0x1  }
0x1c5: {  	v3 =	vtrunc.f32 v3  }
0x1c6: {  	v3 =	vcvt.f32.s32 v3;
	v4 =	vld [tilespmem:s0+$0xFFFFFFF0];
	_ =	sdelay $0x1  }
0x1c7: {  	vm0 =	vgt.s32 v3, $0x0  }
0x1c8: {  	v3 =	vnsel vm0, $0x0, v3  }
0x1c9: {  	v3 =	vmin.u32 v3, $0x1869F  }
0x1ca: {  	v3 =	vadd.s32 v4, v3  }
0x1cb: {  	[tilespmem:s2+$0xFFFFFFF0] =	vst v3  }
0x1cc: {  	v3 =	vld [tilespmem:s15+$0x0];
	_ =	sdelay $0x4  }
0x1cd: {  	v3 =	vadd.f32 $5.000000000e-01, v3;
	_ =	sdelay $0x1  }
0x1ce: {  	v3 =	vtrunc.f32 v3  }
0x1cf: {  	v3 =	vcvt.f32.s32 v3;
	v4 =	vld [tilespmem:s0+$0x0];
	_ =	sdelay $0x1  }
0x1d0: {  	vm0 =	vgt.s32 v3, $0x0  }
0x1d1: {  	v3 =	vnsel vm0, $0x0, v3  }
0x1d2: {  	v3 =	vmin.u32 v3, $0x1869F  }
0x1d3: {  	v3 =	vadd.s32 v4, v3  }
0x1d4: {  	[tilespmem:s2+$0x0] =	vst v3  }
0x1d5: {  	v3 =	vld [tilespmem:s15+$0x10]  }
0x1d6: {  	v4 =	vld [tilespmem:s0+$0x10];
	_ =	sdelay $0x3  }
0x1d7: {  	v3 =	vadd.f32 $5.000000000e-01, v3;
	_ =	sdelay $0x1  }
0x1d8: {  	v3 =	vtrunc.f32 v3  }
0x1d9: {  	v3 =	vcvt.f32.s32 v3;
	_ =	sdelay $0x1  }
.Ltmp11:
0x1da: {  	vm0 =	vgt.s32 v3, $0x0;
	(pc) =	sbr.rel @p0 .LBB2_19-.Ltmp11, $4  }
0x1db: {  	v3 =	vnsel vm0, $0x0, v3  }
0x1dc: {  	v3 =	vmin.u32 v3, $0x1869F  }
0x1dd: {  	v3 =	vadd.s32 v4, v3  }
0x1de: {  	s15 =	sadd.s32 $0x40, s15;
	[tilespmem:s2+$0x10] =	vst v3  }
0x1df: {  	v3 =	vld [tilespmem:$0x500]  }
0x1e0: {  	v4 =	vld [tilespmem:$0x510];
	_ =	sdelay $0x3  }
0x1e1: {  	v3 =	vadd.f32 $5.000000000e-01, v3  }
0x1e2: {  	v4 =	vadd.f32 $5.000000000e-01, v4  }
0x1e3: {  	v3 =	vtrunc.f32 v3  }
0x1e4: {  	v5 =	vld [tilespmem:$0x11A0];
	v4 =	vtrunc.f32 v4;
	v3 =	vcvt.f32.s32 v3  }
0x1e5: {  	v6 =	vld [tilespmem:$0x11B0];
	v4 =	vcvt.f32.s32 v4  }
0x1e6: {  	vm0 =	vgt.s32 v3, $0x0  }
0x1e7: {  	vm15 =	vgt.s32 v4, $0x0;
	v3 =	vnsel vm0, $0x0, v3  }
0x1e8: {  	v4 =	vnsel vm15, $0x0, v4;
	v3 =	vmin.u32 v3, $0x1869F  }
0x1e9: {  	v4 =	vmin.u32 v4, $0x1869F;
	v3 =	vadd.s32 v5, v3  }
0x1ea: {  	[tilespmem:$0x16C0] =	vst v3;
	v3 =	vadd.s32 v6, v4  }
0x1eb: {  	s1 =	sor.u32 $0x1, s1;
	[tilespmem:$0x16D0] =	vst v3  }
.LBB2_21:
0x1ec: {  	_ =	swait.ge [sflag:s21], $0x5200  }
0x1ed: {  	[sflag:s21] =	ssyncset.done $0x0  }
0x1ee: {  	[sflag:s21] =	ssyncadd.s32 $0xFFFFAE00  }
0x1ef: {  	_ =	swait.ge [sflag:s28], $0x5140  }
0x1f0: {  	s0 =	simm.s32 $0x0;
	[sflag:s28] =	ssyncset.done $0x0  }
0x1f1: {  	s2 =	simm.s32 $0x1C50;
	s12 =	simm.s32 $0x0;
	[sflag:s28] =	ssyncadd.s32 $0xFFFFAEC0  }
.LBB2_22:
0x1f2: {  	s8 =	sadd.s32 $0xFFFFFFFB, s0  }
0x1f3: {  	s9 =	sadd.s32 $0x5, s8  }
0x1f4: {  	v3 =	vld [tilespmem:s2+$0xFFFFFFB0];
	v4 =	vadd.s32 s9, v1  }
0x1f5: {  	v5 =	vld [tilespmem:s2+$0xFFFFFFC0];
	v6 =	vadd.s32 s9, v2;
	_ =	sdelay $0x3  }
0x1f6: {  	[tilespmem:v4+s22+$0x0] =	vst.idx.msk $0xffff, v3  }
0x1f7: {  	s13 =	sadd.s32 $0x6, s8;
	[tilespmem:v6+s22+$0x0] =	vst.idx.msk $0xffff, v5  }
0x1f8: {  	v4 =	vadd.s32 s13, v1;
	v3 =	vld [tilespmem:s2+$0xFFFFFFD0]  }
0x1f9: {  	v6 =	vadd.s32 s13, v2;
	v5 =	vld [tilespmem:s2+$0xFFFFFFE0];
	_ =	sdelay $0x3  }
0x1fa: {  	[tilespmem:v4+s22+$0x0] =	vst.idx.msk $0xffff, v3  }
0x1fb: {  	s15 =	sadd.s32 $0x7, s8;
	[tilespmem:v6+s22+$0x0] =	vst.idx.msk $0xffff, v5  }
0x1fc: {  	v4 =	vadd.s32 s15, v1;
	v3 =	vld [tilespmem:s2+$0xFFFFFFF0]  }
0x1fd: {  	v6 =	vadd.s32 s15, v2;
	v5 =	vld [tilespmem:s2+$0x0];
	_ =	sdelay $0x3  }
0x1fe: {  	[tilespmem:v4+s22+$0x0] =	vst.idx.msk $0xffff, v3  }
0x1ff: {  	s30 =	sadd.s32 $0x8, s8;
	[tilespmem:v6+s22+$0x0] =	vst.idx.msk $0xffff, v5  }
0x200: {  	v4 =	vadd.s32 s30, v1;
	v3 =	vld [tilespmem:s2+$0x10]  }
0x201: {  	v6 =	vadd.s32 s30, v2;
	v5 =	vld [tilespmem:s2+$0x20];
	_ =	sdelay $0x3  }
0x202: {  	[tilespmem:v4+s22+$0x0] =	vst.idx.msk $0xffff, v3  }
0x203: {  	s8 =	sadd.s32 $0x9, s8;
	[tilespmem:v6+s22+$0x0] =	vst.idx.msk $0xffff, v5  }
0x204: {  	v6 =	vadd.s32 s8, v1;
	v5 =	vld [tilespmem:s2+$0x30];
	_ =	sdelay $0x1  }
0x205: {  	v4 =	vadd.s32 s8, v2;
	v3 =	vld [tilespmem:s2+$0x40];
	_ =	sdelay $0x2  }
0x206: {  	s11 =	simm.s32 $0x5;
	s9 =	sadd.s32 $0x0, s0;
	s8 =	smov.u32 s2;
	[tilespmem:v6+s22+$0x0] =	vst.idx.msk $0xffff, v5  }
.LBB2_23:
0x207: {  	s15 =	sadd.s32 $0x5, s9  }
0x208: {  	[tilespmem:v4+s22+$0x0] =	vst.idx.msk $0xffff, v3;
	s8 =	sadd.s32 $0xA0, s8;
	s13 =	smov.u32 s11;
	s11 =	sadd.s32 $0x5, s11  }
0x209: {  	p0 =	slt.u32 s11, $0x2D;
	v3 =	vld [tilespmem:s8+$0xFFFFFFB0];
	v4 =	vadd.s32 s15, v1  }
0x20a: {  	v6 =	vadd.s32 s15, v2;
	v5 =	vld [tilespmem:s8+$0xFFFFFFC0];
	_ =	sdelay $0x3  }
0x20b: {  	[tilespmem:v4+s22+$0x0] =	vst.idx.msk $0xffff, v3  }
0x20c: {  	s15 =	sadd.s32 $0x6, s9;
	[tilespmem:v6+s22+$0x0] =	vst.idx.msk $0xffff, v5  }
0x20d: {  	v4 =	vadd.s32 s15, v1;
	v3 =	vld [tilespmem:s8+$0xFFFFFFD0]  }
0x20e: {  	v6 =	vadd.s32 s15, v2;
	v5 =	vld [tilespmem:s8+$0xFFFFFFE0];
	_ =	sdelay $0x3  }
0x20f: {  	[tilespmem:v4+s22+$0x0] =	vst.idx.msk $0xffff, v3  }
0x210: {  	s15 =	sadd.s32 $0x7, s9;
	[tilespmem:v6+s22+$0x0] =	vst.idx.msk $0xffff, v5  }
0x211: {  	v4 =	vadd.s32 s15, v1;
	v3 =	vld [tilespmem:s8+$0xFFFFFFF0]  }
0x212: {  	v6 =	vadd.s32 s15, v2;
	v5 =	vld [tilespmem:s8+$0x0];
	_ =	sdelay $0x3  }
0x213: {  	[tilespmem:v4+s22+$0x0] =	vst.idx.msk $0xffff, v3  }
0x214: {  	s15 =	sadd.s32 $0x8, s9;
	[tilespmem:v6+s22+$0x0] =	vst.idx.msk $0xffff, v5  }
0x215: {  	v4 =	vadd.s32 s15, v1;
	v3 =	vld [tilespmem:s8+$0x10]  }
0x216: {  	v6 =	vadd.s32 s15, v2;
	v5 =	vld [tilespmem:s8+$0x20];
	_ =	sdelay $0x3  }
0x217: {  	[tilespmem:v4+s22+$0x0] =	vst.idx.msk $0xffff, v3  }
0x218: {  	s9 =	sadd.s32 $0x9, s9;
	[tilespmem:v6+s22+$0x0] =	vst.idx.msk $0xffff, v5  }
0x219: {  	v6 =	vadd.s32 s9, v1;
	v5 =	vld [tilespmem:s8+$0x30]  }
.Ltmp12:
0x21a: {  	v4 =	vadd.s32 s9, v2;
	v3 =	vld [tilespmem:s8+$0x40];
	(pc) =	sbr.rel @p0 .LBB2_23-.Ltmp12, $2  }
0x21b: {  	_ =	sdelay $0x2  }
0x21c: {  	s9 =	sadd.s32 s13, s0;
	[tilespmem:v6+s22+$0x0] =	vst.idx.msk $0xffff, v5  }
0x21d: {  	_ =	sdelay $0x3  }
0x21e: {  	s11 =	sadd.s32 $0x5, s9;
	[tilespmem:v4+s22+$0x0] =	vst.idx.msk $0xffff, v3;
	s8 =	sadd.s32 $0xA0, s8  }
0x21f: {  	v3 =	vld [tilespmem:s8+$0xFFFFFFB0];
	v55 =	vadd.s32 s11, v1  }
0x220: {  	v5 =	vld [tilespmem:s8+$0xFFFFFFC0];
	v6 =	vadd.s32 s11, v2;
	_ =	sdelay $0x3  }
0x221: {  	[tilespmem:v55+s22+$0x0] =	vst.idx.msk $0xffff, v3  }
0x222: {  	s30 =	sadd.s32 $0x6, s9;
	[tilespmem:v6+s22+$0x0] =	vst.idx.msk $0xffff, v5  }
0x223: {  	v56 =	vadd.s32 s30, v1;
	v3 =	vld [tilespmem:s8+$0xFFFFFFD0]  }
0x224: {  	v57 =	vadd.s32 s30, v2;
	v5 =	vld [tilespmem:s8+$0xFFFFFFE0];
	_ =	sdelay $0x3  }
0x225: {  	[tilespmem:v56+s22+$0x0] =	vst.idx.msk $0xffff, v3  }
0x226: {  	s13 =	sadd.s32 $0x7, s9;
	[tilespmem:v57+s22+$0x0] =	vst.idx.msk $0xffff, v5  }
0x227: {  	v58 =	vadd.s32 s13, v1;
	v3 =	vld [tilespmem:s8+$0xFFFFFFF0]  }
0x228: {  	v59 =	vadd.s32 s13, v2;
	v5 =	vld [tilespmem:s8+$0x0];
	_ =	sdelay $0x3  }
0x229: {  	[tilespmem:v58+s22+$0x0] =	vst.idx.msk $0xffff, v3  }
0x22a: {  	s15 =	sadd.s32 $0x8, s9;
	[tilespmem:v59+s22+$0x0] =	vst.idx.msk $0xffff, v5  }
0x22b: {  	v60 =	vadd.s32 s15, v1;
	v3 =	vld [tilespmem:s8+$0x10]  }
0x22c: {  	v61 =	vadd.s32 s15, v2;
	v5 =	vld [tilespmem:s8+$0x20];
	_ =	sdelay $0x3  }
0x22d: {  	[tilespmem:v60+s22+$0x0] =	vst.idx.msk $0xffff, v3  }
0x22e: {  	s30 =	sadd.s32 $0x9, s9;
	[tilespmem:v61+s22+$0x0] =	vst.idx.msk $0xffff, v5  }
0x22f: {  	s12 =	sadd.s32 $0x1, s12;
	v62 =	vadd.s32 s30, v1;
	v3 =	vld [tilespmem:s8+$0x30]  }
0x230: {  	p0 =	sne.s32 s12, $0xD;
	v63 =	vadd.s32 s30, v2;
	v5 =	vld [tilespmem:s8+$0x40]  }
.Ltmp13:
0x231: {  	_ = 	snop;
	(pc) =	sbr.rel @p0 .LBB2_22-.Ltmp13, $3  }
0x232: {  	_ =	sdelay $0x1  }
0x233: {  	[tilespmem:v62+s22+$0x0] =	vst.idx.msk $0xffff, v3  }
0x234: {  	s0 =	sadd.s32 $0x640, s0;
	s2 =	sadd.s32 $0x640, s2;
	[tilespmem:v63+s22+$0x0] =	vst.idx.msk $0xffff, v5  }
0x235: {  	s0 =	smul.u32 $0xA3B0, s1;
	_ =	sdelay $0x1  }
0x236: {  	s0 =	sshrl.u32 s0, $0x3  }
0x237: {  	p0 =	seq.s32 s31, $0xF;
	s2 =	simm.s32 $0x514;
	s0 =	sadd.s32 s3, s0  }
0x238: {  	[hbm4b:s0+s4] =	stream.linear.scatter [tilespmem:s22], [sflag:$0x4], $0x5140, $0x38;
	[tilespmem:$0x164E0] =	vst v63  }
0x239: {  	s8 =	simm.s32 @!p0 $0x290;
	s9 =	simm.s32 @!p0 $0x11C0;
	v3 =	vadd.s32 s2, v0;
	s2 =	simm.s32 @!p0 $0x1C00  }
0x23a: {  	[tilespmem:s2], [sflag:$0x2] =	stream.indirect.gather @!p0 [hbm4b:s7+s8], $0x20, s9, s8, $0xb8;
	[tilespmem:$0x164E0] =	vst v63  }
0x23b: {  	_ =	swait.ge [sflag:s29], $0x526C  }
0x23c: {  	[sflag:s29] =	ssyncset.done $0x0  }
0x23d: {  	[sflag:s29] =	ssyncadd.s32 $0xFFFFAD94  }
0x23e: {  	s15 =	simm.s32 $0x524;
	v3 =	vld.idx.msk [tilespmem:v3+s17+$0x0], $0xffff  }
0x23f: {  	v4 =	vadd.s32 s15, v0;
	_ =	sdelay $0x2  }
0x240: {  	s2 =	simm.s32 $0x163B0  }
0x241: {  	[tilespmem:s2+$0x0] =	vst v3  }
0x242: {  	s30 =	simm.s32 $0x534;
	v3 =	vld.idx.msk [tilespmem:v4+s17+$0x0], $0xffff  }
0x243: {  	s8 =	simm.s32 $0x544;
	v4 =	vadd.s32 s30, v0  }
.LBB2_26:
0x244: {  	p1 =	sne.s32 s8, $0x634;
	_ =	sdelay $0x1  }
.Ltmp14:
0x245: {  	s2 =	sadd.s32 $0x10, s2;
	(pc) =	sbr.rel @p1 .LBB2_26-.Ltmp14, $3  }
0x246: {  	[tilespmem:s2+$0x0] =	vst v3  }
0x247: {  	v3 =	vld.idx.msk [tilespmem:v4+s17+$0x0], $0xffff;
	_ =	sdelay $0x1  }
0x248: {  	v4 =	vadd.s32 s8, v0;
	s8 =	sadd.s32 $0x10, s8  }
0x249: {  	_ =	sdelay $0x1  }
0x24a: {  	s2 =	sadd.s32 $0x10, s2  }
0x24b: {  	[tilespmem:s2+$0x0] =	vst v3  }
0x24c: {  	v3 =	vld.idx.msk [tilespmem:v4+s17+$0x0], $0xffff;
	_ =	sdelay $0x3  }
0x24d: {  	s2 =	sadd.s32 $0x10, s2  }
0x24e: {  	[tilespmem:s2+$0x0] =	vst v3  }
0x24f: {  	_ =	swait.ge [sflag:s24], $0x5200  }
0x250: {  	s12 =	simm.s32 $0x6E70;
	[sflag:s24] =	ssyncset.done $0x0  }
0x251: {  	s15 =	simm.s32 $0x0;
	s2 =	simm.s32 $0x0;
	[sflag:s24] =	ssyncadd.s32 $0xFFFFAE00  }
.LBB2_28:
0x252: {  	s8 =	sadd.s32 $0xFFFFFFFB, s2  }
0x253: {  	s9 =	sadd.s32 $0x5, s8  }
0x254: {  	v3 =	vld [tilespmem:s12+$0xFFFFFFD0];
	v4 =	vadd.s32 s9, v1  }
0x255: {  	v5 =	vld [tilespmem:s12+$0xFFFFFFE0];
	v6 =	vadd.s32 s9, v2;
	_ =	sdelay $0x3  }
0x256: {  	[tilespmem:v4+s25+$0x0] =	vst.idx.msk $0xffff, v3  }
0x257: {  	s11 =	sadd.s32 $0x6, s8;
	[tilespmem:v6+s25+$0x0] =	vst.idx.msk $0xffff, v5  }
0x258: {  	v4 =	vadd.s32 s11, v1;
	v3 =	vld [tilespmem:s12+$0xFFFFFFF0]  }
0x259: {  	v6 =	vadd.s32 s11, v2;
	v5 =	vld [tilespmem:s12+$0x0];
	_ =	sdelay $0x3  }
0x25a: {  	[tilespmem:v4+s25+$0x0] =	vst.idx.msk $0xffff, v3  }
0x25b: {  	s13 =	sadd.s32 $0x7, s8;
	[tilespmem:v6+s25+$0x0] =	vst.idx.msk $0xffff, v5  }
0x25c: {  	v4 =	vadd.s32 s13, v1;
	v3 =	vld [tilespmem:s12+$0x10]  }
0x25d: {  	v6 =	vadd.s32 s13, v2;
	v5 =	vld [tilespmem:s12+$0x20];
	_ =	sdelay $0x3  }
0x25e: {  	[tilespmem:v4+s25+$0x0] =	vst.idx.msk $0xffff, v3  }
0x25f: {  	s30 =	sadd.s32 $0x8, s8;
	[tilespmem:v6+s25+$0x0] =	vst.idx.msk $0xffff, v5  }
0x260: {  	v4 =	vadd.s32 s30, v1;
	v3 =	vld [tilespmem:s12+$0x30]  }
0x261: {  	v6 =	vadd.s32 s30, v2;
	v5 =	vld [tilespmem:s12+$0x40];
	_ =	sdelay $0x3  }
0x262: {  	[tilespmem:v4+s25+$0x0] =	vst.idx.msk $0xffff, v3  }
0x263: {  	s8 =	sadd.s32 $0x9, s8;
	[tilespmem:v6+s25+$0x0] =	vst.idx.msk $0xffff, v5  }
0x264: {  	v6 =	vadd.s32 s8, v1;
	v5 =	vld [tilespmem:s12+$0x50];
	_ =	sdelay $0x1  }
0x265: {  	v4 =	vadd.s32 s8, v2;
	v3 =	vld [tilespmem:s12+$0x60];
	_ =	sdelay $0x2  }
0x266: {  	s9 =	sadd.s32 $0x0, s2;
	s11 =	simm.s32 $0x5;
	s8 =	smov.u32 s12;
	[tilespmem:v6+s25+$0x0] =	vst.idx.msk $0xffff, v5  }
.LBB2_29:
0x267: {  	s30 =	sadd.s32 $0x5, s9  }
0x268: {  	[tilespmem:v4+s25+$0x0] =	vst.idx.msk $0xffff, v3;
	s8 =	sadd.s32 $0xA0, s8;
	s13 =	smov.u32 s11;
	s11 =	sadd.s32 $0x5, s11  }
0x269: {  	p1 =	slt.u32 s11, $0x2D;
	v3 =	vld [tilespmem:s8+$0xFFFFFFD0];
	v4 =	vadd.s32 s30, v1  }
0x26a: {  	v6 =	vadd.s32 s30, v2;
	v5 =	vld [tilespmem:s8+$0xFFFFFFE0];
	_ =	sdelay $0x3  }
0x26b: {  	[tilespmem:v4+s25+$0x0] =	vst.idx.msk $0xffff, v3  }
0x26c: {  	s30 =	sadd.s32 $0x6, s9;
	[tilespmem:v6+s25+$0x0] =	vst.idx.msk $0xffff, v5  }
0x26d: {  	v4 =	vadd.s32 s30, v1;
	v3 =	vld [tilespmem:s8+$0xFFFFFFF0]  }
0x26e: {  	v6 =	vadd.s32 s30, v2;
	v5 =	vld [tilespmem:s8+$0x0];
	_ =	sdelay $0x3  }
0x26f: {  	[tilespmem:v4+s25+$0x0] =	vst.idx.msk $0xffff, v3  }
0x270: {  	s30 =	sadd.s32 $0x7, s9;
	[tilespmem:v6+s25+$0x0] =	vst.idx.msk $0xffff, v5  }
0x271: {  	v4 =	vadd.s32 s30, v1;
	v3 =	vld [tilespmem:s8+$0x10]  }
0x272: {  	v6 =	vadd.s32 s30, v2;
	v5 =	vld [tilespmem:s8+$0x20];
	_ =	sdelay $0x3  }
0x273: {  	[tilespmem:v4+s25+$0x0] =	vst.idx.msk $0xffff, v3  }
0x274: {  	s30 =	sadd.s32 $0x8, s9;
	[tilespmem:v6+s25+$0x0] =	vst.idx.msk $0xffff, v5  }
0x275: {  	v4 =	vadd.s32 s30, v1;
	v3 =	vld [tilespmem:s8+$0x30]  }
0x276: {  	v6 =	vadd.s32 s30, v2;
	v5 =	vld [tilespmem:s8+$0x40];
	_ =	sdelay $0x3  }
0x277: {  	[tilespmem:v4+s25+$0x0] =	vst.idx.msk $0xffff, v3  }
0x278: {  	s9 =	sadd.s32 $0x9, s9;
	[tilespmem:v6+s25+$0x0] =	vst.idx.msk $0xffff, v5  }
0x279: {  	v6 =	vadd.s32 s9, v1;
	v5 =	vld [tilespmem:s8+$0x50]  }
.Ltmp15:
0x27a: {  	v4 =	vadd.s32 s9, v2;
	v3 =	vld [tilespmem:s8+$0x60];
	(pc) =	sbr.rel @p1 .LBB2_29-.Ltmp15, $2  }
0x27b: {  	_ =	sdelay $0x2  }
0x27c: {  	s9 =	sadd.s32 s13, s2;
	[tilespmem:v6+s25+$0x0] =	vst.idx.msk $0xffff, v5  }
0x27d: {  	_ =	sdelay $0x3  }
0x27e: {  	s11 =	sadd.s32 $0x5, s9;
	[tilespmem:v4+s25+$0x0] =	vst.idx.msk $0xffff, v3;
	s8 =	sadd.s32 $0xA0, s8  }
0x27f: {  	v3 =	vld [tilespmem:s8+$0xFFFFFFD0];
	v55 =	vadd.s32 s11, v1  }
0x280: {  	v5 =	vld [tilespmem:s8+$0xFFFFFFE0];
	v6 =	vadd.s32 s11, v2;
	_ =	sdelay $0x3  }
0x281: {  	[tilespmem:v55+s25+$0x0] =	vst.idx.msk $0xffff, v3  }
0x282: {  	s13 =	sadd.s32 $0x6, s9;
	[tilespmem:v6+s25+$0x0] =	vst.idx.msk $0xffff, v5  }
0x283: {  	v56 =	vadd.s32 s13, v1;
	v3 =	vld [tilespmem:s8+$0xFFFFFFF0]  }
0x284: {  	v57 =	vadd.s32 s13, v2;
	v5 =	vld [tilespmem:s8+$0x0];
	_ =	sdelay $0x3  }
0x285: {  	[tilespmem:v56+s25+$0x0] =	vst.idx.msk $0xffff, v3  }
0x286: {  	s30 =	sadd.s32 $0x7, s9;
	[tilespmem:v57+s25+$0x0] =	vst.idx.msk $0xffff, v5  }
0x287: {  	v58 =	vadd.s32 s30, v1;
	v3 =	vld [tilespmem:s8+$0x10]  }
0x288: {  	v59 =	vadd.s32 s30, v2;
	v5 =	vld [tilespmem:s8+$0x20];
	_ =	sdelay $0x3  }
0x289: {  	[tilespmem:v58+s25+$0x0] =	vst.idx.msk $0xffff, v3  }
0x28a: {  	s13 =	sadd.s32 $0x8, s9;
	[tilespmem:v59+s25+$0x0] =	vst.idx.msk $0xffff, v5  }
0x28b: {  	v60 =	vadd.s32 s13, v1;
	v3 =	vld [tilespmem:s8+$0x30]  }
0x28c: {  	v61 =	vadd.s32 s13, v2;
	v5 =	vld [tilespmem:s8+$0x40];
	_ =	sdelay $0x3  }
0x28d: {  	[tilespmem:v60+s25+$0x0] =	vst.idx.msk $0xffff, v3  }
0x28e: {  	s30 =	sadd.s32 $0x9, s9;
	[tilespmem:v61+s25+$0x0] =	vst.idx.msk $0xffff, v5  }
0x28f: {  	s15 =	sadd.s32 $0x1, s15;
	v62 =	vadd.s32 s30, v1;
	v3 =	vld [tilespmem:s8+$0x50]  }
0x290: {  	p1 =	sne.s32 s15, $0xD;
	v63 =	vadd.s32 s30, v2;
	v5 =	vld [tilespmem:s8+$0x60]  }
.Ltmp16:
0x291: {  	_ = 	snop;
	(pc) =	sbr.rel @p1 .LBB2_28-.Ltmp16, $3  }
0x292: {  	_ =	sdelay $0x1  }
0x293: {  	[tilespmem:v62+s25+$0x0] =	vst.idx.msk $0xffff, v3  }
0x294: {  	s2 =	sadd.s32 $0x640, s2;
	s12 =	sadd.s32 $0x640, s12;
	[tilespmem:v63+s25+$0x0] =	vst.idx.msk $0xffff, v5  }
.Ltmp17:
0x295: {  	(pc) =	sbr.rel @p0 .LBB2_33-.Ltmp17, $3  }
0x296: {  	_ =	sdelay $0x1  }
0x297: {  	s0 =	sadd.s32 $0xA28, s0  }
0x298: {  	[hbm4b:s0+s4] =	stream.linear.scatter [tilespmem:s25], [sflag:$0x5], $0x526C, $0x38;
	[tilespmem:$0x164E0] =	vst v63  }
0x299: {  	s0 =	smul.u32 $0x640, s1  }
.Ltmp18:
0x29a: {  	_ = 	snop;
	(pc) =	sbr.rel .LBB2_4-.Ltmp18, $4  }
0x29b: {  	s0 =	sshrl.u32 s0, $0x3  }
0x29c: {  	s0 =	sadd.s32 s6, s0  }
0x29d: {  	s31 =	sadd.s32 $0x1, s31;
	s0 =	sadd.s32 $0x190, s0  }
0x29e: {  	[tilespmem:s17], [sflag:$0x1] =	stream.linear.gather [hbm4b:s0+s4], $0x640, $0x38;
	[tilespmem:$0x164E0] =	vst v63  }
.LBB2_34:
0x29f: {  	_ =	sfence.sel $0x180000  }
0x2a0: {  	[bflag:$0x0] =	sbarrier.arrive $0xFFFF  }
0x2a1: {  	_ =	strace $0x90000047  }
0x2a2: {  	s0 =	stileid.u32;
	[bflag:$0x2] =	sbarrier.arrive $0xFFFF  }
0x2a3: {  	p0 =	sne.s32 s0, $0x0;
	s0 =	rddreg [dreg:$0x3]  }
0x2a4: {  	s0 =	sadd.s32 @!p0 $0x100000, s0  }
0x2a5: {  	[sflag:s0] =	ssyncadd.tile.s32 @!p0 $0x1;
	_ =	shalt  }
.Lfunc_end2:
_tile_overlayer_lowered:
.L_overlay_start_2:
0x2a6: {  	(tag) =	ssettag $0x2  }
0x2a7: {  	s0 =	rddreg [dreg:$0x0];
	s2 =	stileid.u32  }
0x2a8: {  	s1 =	rddreg [dreg:$0x1];
	p0 =	sne.s32 s2, $0x0  }
0x2a9: {  	s3 =	rddreg [dreg:$0x2];
	[bflag:$0x3] =	sbarrier.arrive $0xFFFF;
	s2 =	simm.s32 @!p0 $0x1C06  }
0x2aa: {  	[timem:s3], [sflag:s2] =	dma.local @!p0 [hbm:s0], s1  }
0x2ab: {  	s0 =	simm.s32 @!p0 $0x6  }
0x2ac: {  	_ =	swait.ge @!p0 [sflag:s0], s1  }
0x2ad: {  	s1 =	ssub.s32 @!p0 $0x0, s1;
	[sflag:s0] =	ssyncset.done @!p0 $0x0  }
0x2ae: {  	[sflag:s0] =	ssyncadd.s32 @!p0 s1  }
0x2af: {  	[bflag:$0x3] =	sbarrier.arrive $0xFFFF  }
0x2b0: {  	_ =	shalt  }

// kernel: sparse-core-data-format-call.cloned.1.call-start
scs
called_computation_lowered:
.L_overlay_start_0:
0x0: {  	s2 =	sld [smem:$0x3FD9]  }
0x1: {  	s3 =	sld [smem:$0x3FFE];
	_ =	sdelay $0x1  }
0x2: {  	s1 =	srdreg.scid  }
0x3: {  	s0 =	sand.u32 $0x1, s1  }
0x4: {  	s18 =	sshll.u32 s0, $0xA;
	s2 =	sadd.s32 s3, s2  }
0x5: {  	s2 =	sadd.s32 s2, s18  }
0x6: {  	[smem:$0x3FC5] =	sst s2  }
0x7: {  	_ = 	snop  }
0x8: {  	s2 =	sld [smem:$0x3FD0];
	(tm) =	ssettm $0x1  }
0x9: {  	s19 =	sld [smem:$0x3FFB];
	_ =	sdelay $0x3  }
0xa: {  	_ =	strace s19  }
0xb: {  	s3 =	sld [smem:$0x3FFC];
	_ =	sdelay $0x3  }
0xc: {  	_ =	strace s3  }
0xd: {  	s3 =	sld [smem:$0x3FFD];
	_ =	sdelay $0x3  }
0xe: {  	_ =	strace s3  }
0xf: {  	_ =	strace $0x8FFFFFFF  }
0x10: {  	s20 =	sld [smem:$0x3FDB];
	_ =	sdelay $0x1  }
0x11: {  	s4 =	simm.s32 $_scs_section_size  }
0x12: {  	s5 =	simm.s32 $_size__tile_overlayer_lowered;
	s6 =	simm.s32 $_tile_overlayer_lowered  }
0x13: {  	s23 =	simm.s32 $0x1BFF;
	s22 =	sshll.u32 s6, $0x1;
	s3 =	sadd.s32 s4, s20  }
0x14: {  	s7 =	simm.s32 $0x0;
	s21 =	sshll.u32 s5, $0x1;
	s5 =	sadd.s32 s22, s3  }
0x15: {  	[timem:s7], [sflag:s23] =	dma.local [hbm:s5], s21  }
0x16: {  	_ =	swait.ge [sflag:s23], s21  }
0x17: {  	s4 =	ssub.s32 $0x0, s21;
	[sflag:s23] =	ssyncset.done $0x0  }
0x18: {  	[sflag:s23] =	ssyncadd.s32 s4;
	_ =	sdelay $0x1  }
0x19: {  	s24 =	simm.s32 $0x1B8B  }
0x1a: {  	_ =	swait.ge [sflag:s24], $0x1  }
0x1b: {  	[sflag:s24] =	ssyncset.done $0x0  }
0x1c: {  	s26 =	simm.s32 $0x1B8E;
	s25 =	sld [smem:$0x3FFE];
	[sflag:s24] =	ssyncadd.s32 $0xFFFFFFFF  }
0x1d: {  	s27 =	simm.s32 $execute0_lowered;
	[smem:$0x3FD2] =	sst s26  }
0x1e: {  	s5 =	sshll.u32 s27, $0x1;
	_ =	strace $0x80000049;
	[dreg:$0x1] =	wrdreg $0xFFFFFFFF  }
0x1f: {  	s28 =	simm.s32 $_size_execute0_lowered;
	s3 =	sadd.s32 s3, s5;
	[dreg:$0x0] =	wrdreg $0x0  }
0x20: {  	s5 =	sshll.u32 s28, $0x1;
	[dreg:$0x2] =	wrdreg s3  }
0x21: {  	[dreg:$0x3] =	wrdreg s5  }
0x22: {  	[dreg:$0x4] =	wrdreg $0xC0  }
0x23: {  	_ =	task [dreg:s7], $0x5FFFF  }
0x24: {  	[dreg:$0x1] =	wrdreg $0xFFFFFFFF  }
0x25: {  	[dreg:$0x0] =	wrdreg $0x60  }
0x26: {  	[dreg:$0x2] =	wrdreg s25  }
0x27: {  	[dreg:$0x3] =	wrdreg s2  }
0x28: {  	[dreg:$0x4] =	wrdreg $0x9  }
0x29: {  	_ =	task.clear_ibuf [dreg:s7], $0x5FFFF;
	_ =	strace $0x90000049  }
0x2a: {  	s29 =	simm.s32 $0x9;
	_ =	strace $0x8000004B  }
0x2b: {  	_ =	swait.ge [sflag:s29], $0x1  }
0x2c: {  	[sflag:s29] =	ssyncadd.s32 $0xFFFFFFFF  }
0x2d: {  	_ =	strace $0x9000004B  }
0x2e: {  	_ =	sfence  }
0x2f: {  	s30 =	sld [smem:$0x0];
	_ =	sdelay $0x2  }
0x30: {  	s31 =	sshll.u32 s1, $0xD;
	s1 =	sshrl.u32 s1, $0x2  }
0x31: {  	s3 =	sand.u32 $0x4000, s31;
	s1 =	sadd.s32 s1, s30  }
0x32: {  	s0 =	sor.u32 s3, s0;
	s1 =	sshll.u32 s1, $0x11  }
0x33: {  	s0 =	sor.u32 s1, s0  }
0x34: {  	s0 =	sadd.s32 $0x8F2B, s0  }
0x35: {  	[sflag:s0] =	ssyncadd.remote.s32 $0x1  }
0x36: {  	_ =	sfence.sel $0xFFFF  }
0x37: {  	[dreg:$0x0] =	wrdreg $0xFFFFFFFF;
	(pc) =	sbr.abs _section_cstart, $3  }
0x38: {  	[dreg:$0x1] =	wrdreg $0xFFFFFFFF  }
0x39: {  	_ =	task.clear_ibuf [dreg:s7], $0x2FFFF;
	_ =	strace $0x9FFFFFFF  }
0x3a: {  	(tm) =	ssettm $0x7FFFFFFF  }
0x3b: {  	_ =	shalt  }
tec
execute0_lowered:
.L_overlay_start_1:
0x0: {  	(tag) =	ssettag $0x1  }
0x1: {  	s4 =	rddreg [dreg:$0x0]  }
0x2: {  	s0 =	stileid.u32;
	s2 =	rddreg [dreg:$0x1]  }
0x3: {  	s7 =	srdreg.scid;
	s31 =	simm.s32 $0x2;
	s16 =	simm.s32 $0x0  }
0x4: {  	s9 =	simm.s32 $0x2000;
	s15 =	simm.s32 $0x0;
	s1 =	sshll.u32 s0, $0x7  }
0x5: {  	s10 =	simm.s32 $0x0;
	s11 =	simm.s32 $0x0;
	s3 =	sand.u32 $0x380, s1  }
0x6: {  	s14 =	simm.s32 $0x0;
	s4 =	sadd.s32 $0xA00, s4;
	s5 =	ssub.s32 $0x400, s3  }
0x7: {  	s8 =	sshll.u32 s0, $0x4;
	s7 =	sshll.u32 s7, $0x8;
	s6 =	sand.u32 $0x380, s5  }
0x8: {  	s1 =	rddreg [dreg:$0x2];
	p0 =	sne.s32 s6, $0x0;
	s6 =	simm.s32 $0x1  }
.Ltmp0:
0x9: {  	s5 =	sshrl.u32 s5, $0xA;
	s6 =	simm.s32 @!p0 $0x0;
	(pc) =	sbr.rel .LBB1_1-.Ltmp0, $4  }
0xa: {  	_ =	strace $0x8000004A;
	s7 =	sor.u32 s8, s7;
	s6 =	sadd.s32 s6, s5  }
0xb: {  	s7 =	sand.u32 $0x180, s7;
	s5 =	simm.s32 $0x1;
	s6 =	smul.u32 $0x52, s6  }
0xc: {  	s13 =	smov.u32 s3;
	s12 =	smov.u32 s7;
	[sflag:s5] =	ssyncpa.u1 $0x0  }
0xd: {  	p0 =	por $0x0, $0x0;
	[sflag:s31] =	ssyncpa.u1 $0x0;
	s8 =	sor.u32 $0x1, s6  }
.LBB1_4:
0xe: {  	s21 =	sshra.s32 s21, $0x2;
	s27 =	sshll.u32 s10, $0xA;
	s22 =	sshll.u32 s11, $0x3  }
0xf: {  	s23 =	sshll.u32 s10, $0x7;
	s24 =	sand.u32 $0x78, s11;
	p1 =	sgt.s32 s10, $0xA330  }
0x10: {  	s25 =	sshra.s32 s10, $0x1F;
	s26 =	sshra.s32 s11, $0x1F;
	s20 =	sadd.s32 s21, s20  }
0x11: {  	v5 =	vld [tilespmem:s18+$0xFFFFFFD0];
	[tilespmem:s19+$0x2040 ss:$0x81] =	vst.msk $0xffff, v4;
	s21 =	sand.u32 $0xFFFFE000, s27;
	s22 =	sand.u32 $0xFFFFFC00, s22;
	s28 =	sand.u32 $0x380, s23  }
0x12: {  	v58 =	vld [tilespmem:s18+$0xFFFFFFE0];
	[tilespmem:s19+$0x2850 ss:$0x81] =	vst.msk $0xffff, v3;
	s23 =	smov.u32 s10;
	s30 =	sand.u32 s25, s10;
	s25 =	smov.u32 s11  }
0x13: {  	v59 =	vld [tilespmem:s18+$0xFFFFFFF0];
	[tilespmem:s19+$0x3060 ss:$0x81] =	vst.msk $0xffff, v2;
	s31 =	sand.u32 s26, s11;
	s21 =	sadd.s32 s22, s21;
	s22 =	sor.u32 s24, s28  }
0x14: {  	v60 =	vld [tilespmem:s18+$0x0];
	[tilespmem:s19+$0x0 ss:$0x81] =	vst.msk $0xffff, v1;
	s23 =	simm.s32 @!p1 $0xA330;
	p1 =	sgt.s32 s11, $0x380;
	s21 =	sshrl.u32 s21, $0xA  }
0x15: {  	v61 =	vld [tilespmem:s18+$0x10];
	[tilespmem:s20+$0x3870 ss:$0x81] =	vst.msk $0xffff, v0;
	s19 =	ssub.s32 s23, s30;
	s25 =	simm.s32 @!p1 $0x380;
	s29 =	smulhi.u32 $0x320BED, s21  }
0x16: {  	v62 =	vld [tilespmem:s18+$0x20];
	s23 =	ssub.s32 s25, s31;
	s26 =	sadd.s32 $0xFFFF5CD0, s19;
	s19 =	ssub.s32 $0xA3B0, s19;
	[tilespmem:s20+$0x810 ss:$0x81] =	vst.msk $0xffff, v5  }
0x17: {  	v63 =	vld [tilespmem:s18+$0xFFFFFFC0];
	[tilespmem:s20+$0x1020 ss:$0x81] =	vst.msk $0xffff, v58;
	p1 =	sgt.s32 s26, $0x7F;
	s28 =	sadd.s32 $0xFFFFFC80, s23;
	s24 =	sshrl.u32 s29, $0x5  }
0x18: {  	[tilespmem:s20+$0x1830 ss:$0x81] =	vst.msk $0xffff, v59;
	s23 =	ssub.s32 $0x400, s23;
	p2 =	sgt.s32 s28, $0x7F;
	s27 =	smul.u32 $0xA3B0, s24  }
0x19: {  	s30 =	sand.u32 $0x7, s11;
	[tilespmem:s20+$0x2040 ss:$0x81] =	vst.msk $0xffff, v60;
	s19 =	simm.s32 @p1 $0x0;
	s23 =	simm.s32 @p2 $0x0  }
0x1a: {  	[tilespmem:s20+$0x2850 ss:$0x81] =	vst.msk $0xffff, v61;
	s29 =	sshrl.u32 s22, $0x3;
	s19 =	smul.u32 s23, s19;
	s18 =	ssub.s32 s21, s27  }
0x1b: {  	[tilespmem:s20+$0x3060 ss:$0x81] =	vst.msk $0xffff, v62;
	s22 =	sshll.u32 s30, $0x12;
	s21 =	sadd.s32 s2, s29;
	s18 =	sshll.u32 s18, $0x7  }
0x1c: {  	[tilespmem:s20+$0x0 ss:$0x81] =	vst.msk $0xffff, v63;
	s31 =	sor.u32 $0x400, s22;
	s19 =	sand.u32 $0x3FFFFFFF, s19;
	s18 =	sadd.s32 s18, s21  }
0x1d: {  	[hbm4b:s18+s31] =	stream.strided.scatter [tilespmem:s17], [sflag:$0x2], s19, s9, s31, $0x20;
	[tilespmem:$0x10100] =	vst v63  }
.LBB1_5:
0x1e: {  	p1 =	slt.u32 s14, $0x2  }
0x1f: {  	s18 =	smov.u32 s16;
	p2 =	sgt.s32 @!p1 s16, $0xA330;
	s17 =	sshra.s32 @!p1 s16, $0x1F  }
0x20: {  	p3 =	sgt.s32 @!p1 s15, $0x380;
	s19 =	sshra.s32 @!p1 s15, $0x1F;
	p2 =	por !p2, p1  }
0x21: {  	s16 =	sand.u32 @!p1 s17, s16;
	p3 =	por !p3, p1;
	s17 =	smov.u32 s15  }
0x22: {  	s15 =	sand.u32 @!p1 s19, s15;
	s18 =	simm.s32 @p2 $0xA330;
	s17 =	simm.s32 @p3 $0x380  }
0x23: {  	s16 =	ssub.s32 @!p1 s18, s16;
	s15 =	ssub.s32 @!p1 s17, s15  }
0x24: {  	s19 =	smov.u32 s13;
	s17 =	sadd.s32 @!p1 $0xFFFF5CD0, s16;
	s18 =	sadd.s32 @!p1 $0xFFFFFC80, s15  }
0x25: {  	s16 =	ssub.s32 @!p1 $0xA3B0, s16;
	p2 =	sgt.s32 @!p1 s17, $0x7F;
	p3 =	sgt.s32 @!p1 s18, $0x7F  }
0x26: {  	s15 =	ssub.s32 @!p1 $0x400, s15;
	p2 =	por !p2, p1;
	p3 =	por !p3, p1  }
0x27: {  	s17 =	sadd.s32 $0x200, s12;
	s16 =	simm.s32 @!p2 $0x0;
	s15 =	simm.s32 @!p3 $0x0  }
0x28: {  	p2 =	sgt.s32 s17, $0xA3AB;
	s15 =	smul.u32 @!p1 s15, s16;
	s16 =	sadd.s32 $0x400, s13  }
0x29: {  	s19 =	smov.u32 @p2 s16  }
0x2a: {  	s17 =	smov.u32 @p2 s7;
	p2 =	sgt.s32 s19, $0x3FF  }
0x2b: {  	s19 =	smov.u32 @p2 s3;
	p2 =	sne.s32 s14, s8  }
.Ltmp1:
0x2c: {  	p0 =	por !p0, !p0;
	s18 =	simm.s32 @!p1 $0x2;
	(pc) =	sbr.rel @!p2 .LBB1_6-.Ltmp1, $4  }
0x2d: {  	s16 =	smov.u32 s10;
	s10 =	smov.u32 s12;
	s15 =	sand.u32 @!p1 $0x3FFFFFFF, s15  }
0x2e: {  	s12 =	smov.u32 s17;
	_ =	swait.ge @!p1 [sflag:s18], s15;
	s20 =	ssub.s32 @!p1 $0x0, s15  }
0x2f: {  	s15 =	smov.u32 s11;
	s14 =	sadd.s32 $0x1, s14;
	[sflag:s18] =	ssyncset.done @!p1 $0x0  }
0x30: {  	s11 =	smov.u32 s13;
	s13 =	smov.u32 s19;
	[sflag:s18] =	ssyncadd.s32 @!p1 s20  }
.LBB1_1:
0x31: {  	p1 =	sge.u32 s14, s6  }
0x32: {  	s17 =	sshrl.u32 @!p1 s13, $0x3  }
0x33: {  	s18 =	sshll.u32 @!p1 s12, $0x3;
	s19 =	sshll.u32 @!p1 s13, $0x7;
	s17 =	smul.u32 @!p1 $0x52000, s17  }
0x34: {  	s20 =	sand.u32 @!p1 $0x7F, s12;
	s18 =	sand.u32 @!p1 $0xFFFFFC00, s18;
	s19 =	sand.u32 @!p1 $0x380, s19  }
0x35: {  	s17 =	sadd.s32 @!p1 s17, s18;
	s18 =	sor.u32 @!p1 s20, s19  }
0x36: {  	s18 =	sor.u32 @!p1 s17, s18  }
0x37: {  	s19 =	smulhi.u32 @!p1 $0xC7CE0C7D, s18;
	_ =	sdelay $0x1  }
0x38: {  	s17 =	smulhi.u32 @!p1 $0xC7CE0C7D, s17;
	s19 =	sshrl.u32 @!p1 s19, $0xF  }
0x39: {  	s19 =	smul.u32 @!p1 $0xA400, s19  }
0x3a: {  	s31 =	sadd.s32 $0xFFFFFFFF, s14;
	s20 =	sxor.u32 @!p1 $0xFFFFFFFF, s14;
	s17 =	sshrl.u32 @!p1 s17, $0xF  }
0x3b: {  	s20 =	sshll.u32 @!p1 s20, $0xE;
	s17 =	sand.u32 @!p1 $0x3FF, s17;
	s18 =	ssub.s32 @!p1 s18, s19  }
0x3c: {  	s17 =	smul.u32 @!p1 $0x1480, s17;
	s19 =	sshrl.u32 @!p1 s18, $0x3;
	s18 =	sand.u32 @!p1 $0x7, s18  }
0x3d: {  	s20 =	sand.u32 @!p1 $0x4000, s20;
	s19 =	sadd.s32 @!p1 s4, s19;
	s18 =	sshll.u32 @!p1 s18, $0x12  }
0x3e: {  	s17 =	sadd.s32 @!p1 s17, s19;
	s18 =	sor.u32 @!p1 $0x400, s18;
	s19 =	simm.s32 @!p1 $0x52000  }
0x3f: {  	[tilespmem:s20], [sflag:$0x1] =	stream.strided.gather @!p1 [hbm4b:s17+s18], $0x4000, s19, s18, $0x38;
	[tilespmem:$0x10100] =	vst v63  }
0x40: {  	p1 =	sge.u32 s31, s6  }
.Ltmp2:
0x41: {  	_ = 	snop;
	(pc) =	sbr.rel @p1 .LBB1_5-.Ltmp2, $1  }
0x42: {  	_ =	sdelay $0x3  }
0x43: {  	s17 =	simm.s32 $0x1  }
0x44: {  	_ =	swait.ge [sflag:s5], $0x4000;
	s17 =	simm.s32 @!p0 $0x0  }
0x45: {  	[sflag:s5] =	ssyncset.done $0x0;
	s18 =	sshll.u32 s17, $0xE  }
0x46: {  	[sflag:s5] =	ssyncadd.s32 $0xFFFFC000;
	s18 =	sor.u32 $0x40, s18  }
0x47: {  	s17 =	smul.u32 $0x10200, s17;
	v0 =	vld [tilespmem:s18+$0x30]  }
0x48: {  	v1 =	vld [tilespmem:s18+$0xFFFFFFD0]  }
0x49: {  	s17 =	sshrl.u32 s17, $0x2;
	v5 =	vld [tilespmem:s18+$0xFFFFFFE0]  }
0x4a: {  	v6 =	vld [tilespmem:s18+$0xFFFFFFF0];
	s20 =	sor.u32 $0x8000, s17  }
0x4b: {  	s31 =	sand.u32 $0x1, s14;
	v4 =	vld [tilespmem:s18+$0x0];
	s19 =	sadd.s32 $0x0, s20  }
0x4c: {  	v3 =	vld [tilespmem:s18+$0x10];
	s17 =	smul.u32 $0x10200, s31;
	[tilespmem:s19+$0x3870 ss:$0x81] =	vst.msk $0xffff, v0  }
0x4d: {  	v2 =	vld [tilespmem:s18+$0x20];
	[tilespmem:s19+$0x810 ss:$0x81] =	vst.msk $0xffff, v1  }
0x4e: {  	s17 =	sshrl.u32 s17, $0x2;
	v1 =	vld [tilespmem:s18+$0xFFFFFFC0];
	[tilespmem:s19+$0x1020 ss:$0x81] =	vst.msk $0xffff, v5;
	s18 =	sadd.s32 $0x80, s18  }
0x4f: {  	s21 =	simm.s32 $0x4;
	s22 =	simm.s32 $0x8;
	s17 =	sor.u32 $0x8000, s17;
	[tilespmem:s19+$0x1830 ss:$0x81] =	vst.msk $0xffff, v6;
	v0 =	vld [tilespmem:s18+$0x30]  }
.LBB1_3:
0x50: {  	p1 =	sne.s32 s22, $0x1FC;
	v5 =	vld [tilespmem:s18+$0xFFFFFFD0];
	[tilespmem:s19+$0x2040 ss:$0x81] =	vst.msk $0xffff, v4  }
0x51: {  	v6 =	vld [tilespmem:s18+$0xFFFFFFE0];
	[tilespmem:s19+$0x2850 ss:$0x81] =	vst.msk $0xffff, v3  }
0x52: {  	s23 =	sshra.s32 s21, $0x2;
	s21 =	smov.u32 s22;
	v7 =	vld [tilespmem:s18+$0xFFFFFFF0];
	[tilespmem:s19+$0x3060 ss:$0x81] =	vst.msk $0xffff, v2  }
.Ltmp3:
0x53: {  	v4 =	vld [tilespmem:s18+$0x0];
	[tilespmem:s19+$0x0 ss:$0x81] =	vst.msk $0xffff, v1;
	s19 =	sadd.s32 s23, s20;
	(pc) =	sbr.rel @p1 .LBB1_3-.Ltmp3, $4  }
0x54: {  	v3 =	vld [tilespmem:s18+$0x10];
	[tilespmem:s19+$0x3870 ss:$0x81] =	vst.msk $0xffff, v0  }
0x55: {  	[tilespmem:s19+$0x810 ss:$0x81] =	vst.msk $0xffff, v5;
	v2 =	vld [tilespmem:s18+$0x20]  }
0x56: {  	v1 =	vld [tilespmem:s18+$0xFFFFFFC0];
	[tilespmem:s19+$0x1020 ss:$0x81] =	vst.msk $0xffff, v6;
	s18 =	sadd.s32 $0x80, s18  }
0x57: {  	s22 =	sadd.s32 $0x4, s22;
	v0 =	vld [tilespmem:s18+$0x30];
	[tilespmem:s19+$0x1830 ss:$0x81] =	vst.msk $0xffff, v7  }
.Ltmp4:
0x58: {  	_ = 	snop;
	(pc) =	sbr.rel .LBB1_4-.Ltmp4, $1  }
0x59: {  	_ =	sdelay $0x3  }
.LBB1_6:
0x5a: {  	_ =	sfence.sel $0x180000  }
0x5b: {  	s2 =	simm.s32 $0x1;
	[bflag:$0x0] =	sbarrier.arrive $0xFFFF  }
0x5c: {  	s31 =	simm.s32 $0x2;
	[sflag:s2] =	ssyncpa.u1 $0x1  }
0x5d: {  	[sflag:s31] =	ssyncpa.u1 $0x1  }
0x5e: {  	p0 =	sne.s32 s0, $0x0;
	_ =	strace $0x9000004A  }
0x5f: {  	s0 =	sadd.s32 @!p0 $0x100000, s1;
	[bflag:$0x2] =	sbarrier.arrive $0xFFFF  }
0x60: {  	[sflag:s0] =	ssyncadd.tile.s32 @!p0 $0x1;
	_ =	shalt  }
.Lfunc_end1:
_tile_overlayer_lowered:
.L_overlay_start_2:
0x61: {  	(tag) =	ssettag $0x2  }
0x62: {  	s0 =	rddreg [dreg:$0x0];
	s2 =	stileid.u32  }
0x63: {  	s1 =	rddreg [dreg:$0x1];
	p0 =	sne.s32 s2, $0x0  }
0x64: {  	s3 =	rddreg [dreg:$0x2];
	[bflag:$0x3] =	sbarrier.arrive $0xFFFF;
	s2 =	simm.s32 @!p0 $0x1C01  }
0x65: {  	[timem:s3], [sflag:s2] =	dma.local @!p0 [hbm:s0], s1  }
0x66: {  	s0 =	simm.s32 @!p0 $0x1  }
0x67: {  	_ =	swait.ge @!p0 [sflag:s0], s1  }
0x68: {  	s1 =	ssub.s32 @!p0 $0x0, s1;
	[sflag:s0] =	ssyncset.done @!p0 $0x0  }
0x69: {  	[sflag:s0] =	ssyncadd.s32 @!p0 s1  }
0x6a: {  	[bflag:$0x3] =	sbarrier.arrive $0xFFFF  }
0x6b: {  	_ =	shalt  }

</sc_bundles>
